<compile_context>
chip_gen: v7x
topology: tpu7x:2x2x1
jax: 0.10.2.dev20260603
libtpu: 0.0.44.dev20260713+nightly
codegen_flags: <defaults>
</compile_context>

<pallas_src>
import jax
import jax.numpy as jnp
from jax import lax
from jax.experimental import pallas as pl
from jax.experimental.pallas import tpu as pltpu
from jax.experimental.pallas import tpu_sc as plsc

B = 4096
L = 50
VOCAB = 1000000
D = 64

NC = 2
NS = 16
NW = NC * NS
PPW = (B * L) // NW
CH = 128
NCH = PPW // CH


def _body(tok_hbm, seq_hbm, table_hbm, zero_hbm, out_hbm,
          tok_in, seq_v, vtok, vdst, zdst, rows_v, zero_v,
          sem_g, sem_s, sem_z):
    wid = lax.axis_index("s") * NC + lax.axis_index("c")
    base = wid * PPW

    pltpu.sync_copy(tok_hbm.at[pl.ds(base, PPW)], tok_in)
    pltpu.sync_copy(seq_hbm, seq_v)
    pltpu.sync_copy(zero_hbm, zero_v)

    iota = lax.iota(jnp.int32, 16)
    inv_l = jnp.full((16,), 1.0 / L, jnp.float32)

    def compute_chunk(j, carry):
        nv, ni = carry
        for k in range(CH // 16):
            off = j * CH + k * 16
            p = base + off + iota
            q = (p.astype(jnp.float32) * inv_l).astype(jnp.int32)
            q = jnp.where((q + 1) * L <= p, q + 1, q)
            q = jnp.where(q * L > p, q - 1, q)
            l = p - q * L
            seq = plsc.load_gather(seq_v, [q])
            valid = l < seq
            v01 = jnp.where(valid, 1, 0)
            csum = plsc.cumsum(v01)
            cntv = jnp.sum(v01)
            tokvec = tok_in[pl.ds(off, 16)]
            vidx = nv + csum - 1
            plsc.store_scatter(vtok, [vidx], tokvec, mask=valid)
            plsc.store_scatter(vdst, [vidx >> 7, vidx & (CH - 1)], p,
                               mask=valid)
            zidx = ni + (iota + 1 - csum) - 1
            plsc.store_scatter(zdst, [zidx >> 7, zidx & (CH - 1)], p,
                               mask=jnp.logical_not(valid))
            nv = nv + cntv
            ni = ni + (16 - cntv)
        return nv, ni

    nv, ni = lax.fori_loop(0, NCH, compute_chunk, (jnp.int32(0), jnp.int32(0)))

    iv = jnp.full((16,), 1, jnp.int32) * jnp.maximum(nv - 1, 0)
    tok_last = plsc.load_gather(vtok, [iv])
    dst_last = plsc.load_gather(vdst, [iv >> 7, iv & (CH - 1)])
    iz = jnp.full((16,), 1, jnp.int32) * jnp.maximum(ni - 1, 0)
    z_last = plsc.load_gather(zdst, [iz >> 7, iz & (CH - 1)])
    nv_al = nv & ~15
    ni_al = ni & ~15
    for k in range(9):
        pv = nv_al + k * 16 + iota
        mv = pv >= nv
        plsc.store_scatter(vtok, [pv], tok_last, mask=mv)
        plsc.store_scatter(vdst, [pv >> 7, pv & (CH - 1)], dst_last, mask=mv)
        pz = ni_al + k * 16 + iota
        plsc.store_scatter(zdst, [pz >> 7, pz & (CH - 1)], z_last,
                           mask=pz >= ni)

    nchv = (nv + CH - 1) >> 7
    nchz = (ni + CH - 1) >> 7

    def fire_zero(z, _):
        pltpu.async_copy(zero_v, out_hbm.at[zdst.at[z]], sem_z)
        return 0
    lax.fori_loop(0, nchz, fire_zero, 0)

    def fire_gather(g, slot):
        pltpu.async_copy(
            table_hbm.at[vtok.at[pl.ds(g * CH, CH)]], rows_v.at[slot], sem_g)

    @pl.when(nchv > 0)
    def _prime():
        fire_gather(0, 0)

    def move_chunk(g, _):
        slot = g & 1
        pltpu.make_async_copy(
            table_hbm.at[vtok.at[pl.ds(g * CH, CH)]], rows_v.at[slot],
            sem_g).wait()

        @pl.when(g + 1 < nchv)
        def _next():
            fire_gather(g + 1, (g + 1) & 1)

        pltpu.async_copy(rows_v.at[slot], out_hbm.at[vdst.at[g]],
                         sem_s).wait()
        return 0

    lax.fori_loop(0, nchv, move_chunk, 0)

    def drain_zero(z, _):
        pltpu.make_async_copy(zero_v, out_hbm.at[zdst.at[0]], sem_z).wait()
        return 0
    lax.fori_loop(0, nchz, drain_zero, 0)


def kernel(token_ids, seq_lens, glove_table):
    tok_flat = token_ids.reshape(B * L).astype(jnp.int32)
    seq_lens = seq_lens.astype(jnp.int32)
    zeros_src = jnp.zeros((CH, D), jnp.float32)

    mesh = plsc.VectorSubcoreMesh(core_axis_name="c", subcore_axis_name="s")
    out = pl.kernel(
        _body,
        out_type=jax.ShapeDtypeStruct((B * L, D), jnp.float32),
        mesh=mesh,
        compiler_params=pltpu.CompilerParams(use_tc_tiling_on_sc=False,
                                             needs_layout_passes=False),
        scratch_types=[
            pltpu.VMEM((PPW,), jnp.int32),
            pltpu.VMEM((B,), jnp.int32),
            pltpu.VMEM((PPW + 144,), jnp.int32),
            pltpu.VMEM((NCH + 2, CH), jnp.int32),
            pltpu.VMEM((NCH + 2, CH), jnp.int32),
            pltpu.VMEM((2, CH, D), jnp.float32),
            pltpu.VMEM((CH, D), jnp.float32),
            pltpu.SemaphoreType.DMA,
            pltpu.SemaphoreType.DMA,
            pltpu.SemaphoreType.DMA,
        ],
    )(tok_flat, seq_lens, glove_table, zeros_src)
    return out.reshape(B, L, D)

# --- scband reference (transcript-rebuilt; emitter-appended) ---
"""Pipeline reference for scband-preprocess-text-17746804867900 (READ-ONLY COPY).

The authoritative reference and input builder live on the scoring server;
editing this copy changes nothing except your own understanding.
"""

import jax, jax.numpy as jnp
import numpy as np

B = 4096
L = 50
VOCAB = 1000000
D = 64


def setup_inputs(seed: int = 0) -> dict:
    key = jax.random.key(seed)
    k1, k2, k3 = jax.random.split(key, 3)
    token_ids = jax.random.randint(k1, (B, L), 0, VOCAB)
    seq_lens = jax.random.randint(k2, (B,), 1, L + 1).astype(jnp.int32)
    glove_table = jax.random.normal(k3, (VOCAB, D), dtype=jnp.float32)
    return {"token_ids": token_ids, "seq_lens": seq_lens, "glove_table": glove_table}


def reference(token_ids, seq_lens, glove_table):
    # sentence_to_word_vec: per-token GloVe lookup -> gather from embedding table
    vecs = jnp.take(glove_table, token_ids, axis=0)  # [B, L, D]
    # F.pad to max length with zeros == mask positions beyond each sequence length
    mask = jnp.arange(L)[None, :] < seq_lens[:, None]  # [B, L]
    f_tv = vecs * mask[:, :, None].astype(vecs.dtype)  # torch.stack equivalent: already batched
    return f_tv

if __name__ == "__main__":
    import jax
    _d = setup_inputs()
    print(jax.jit(kernel)(*tuple(_d.values())))

</pallas_src>

<mosaic_0001>
#map = affine_map<(d0, d1) -> (0)>
#map1 = affine_map<(d0, d1) -> (0, 0)>
module attributes {stable_mosaic.version = 14 : i64} {
  func.func @_body(%arg0: i32, %arg1: i32, %arg2: memref<204800xi32, #tpu.memory_space<hbm>>, %arg3: memref<4096xi32, #tpu.memory_space<hbm>>, %arg4: memref<1000000x64xf32, #tpu.memory_space<hbm>>, %arg5: memref<128x64xf32, #tpu.memory_space<hbm>>, %arg6: memref<204800x64xf32, #tpu.memory_space<hbm>>, %arg7: memref<6400xi32, #tpu.memory_space<vmem>>, %arg8: memref<4096xi32, #tpu.memory_space<vmem>>, %arg9: memref<6544xi32, #tpu.memory_space<vmem>>, %arg10: memref<52x128xi32, #tpu.memory_space<vmem>>, %arg11: memref<52x128xi32, #tpu.memory_space<vmem>>, %arg12: memref<2x128x64xf32, #tpu.memory_space<vmem>>, %arg13: memref<128x64xf32, #tpu.memory_space<vmem>>, %arg14: memref<!tpu.dma_semaphore, #tpu.memory_space<semaphore_mem>>, %arg15: memref<!tpu.dma_semaphore, #tpu.memory_space<semaphore_mem>>, %arg16: memref<!tpu.dma_semaphore, #tpu.memory_space<semaphore_mem>>) attributes {dimension_semantics = [#tpu.dimension_semantics<core_parallel>, #tpu.dimension_semantics<subcore_parallel>], iteration_bounds = array<i64: 2, 16>, scalar_prefetch = 0 : i64, scratch_operands = 10 : i64, tpu.core_type = #tpu.core_type<sc_vector_subcore>, window_params = [{transform_indices = #map}, {transform_indices = #map}, {transform_indices = #map1}, {transform_indices = #map1}, {transform_indices = #map1}]} {
    %mul3A = arith.constant 2 : i32
    %mul3A_0 = arith.muli %arg1, %mul3A : i32
    %add3A = arith.addi %mul3A_0, %arg0 : i32
    %mul3A_1 = arith.constant 6400 : i32
    %mul3A_2 = arith.muli %add3A, %mul3A_1 : i32
    "tpu.region"() ({
      %run_scoped3A = tpu.sem_alloc : memref<!tpu.dma_semaphore, #tpu.memory_space<semaphore_mem>>
      %dma_start3A = tpu.memref_slice %arg2[%mul3A_2] : memref<204800xi32, #tpu.memory_space<hbm>> -> memref<6400xi32, #tpu.memory_space<hbm>>
      %dma_start3A_305 = tpu.memref_slice %arg2[%mul3A_2] : memref<204800xi32, #tpu.memory_space<hbm>> -> memref<6400xi32, #tpu.memory_space<hbm>>
      tpu.enqueue_dma source(%dma_start3A_305 : memref<6400xi32, #tpu.memory_space<hbm>>) target(%arg7 : memref<6400xi32, #tpu.memory_space<vmem>>) target_semaphore(%run_scoped3A : memref<!tpu.dma_semaphore, #tpu.memory_space<semaphore_mem>>)
      %dma_wait3A = tpu.memref_slice %arg2[%mul3A_2] : memref<204800xi32, #tpu.memory_space<hbm>> -> memref<6400xi32, #tpu.memory_space<hbm>>
      %dma_wait3A_306 = tpu.memref_slice %arg2[%mul3A_2] : memref<204800xi32, #tpu.memory_space<hbm>> -> memref<6400xi32, #tpu.memory_space<hbm>>
      tpu.wait_dma2 semaphore(%run_scoped3A : memref<!tpu.dma_semaphore, #tpu.memory_space<semaphore_mem>>) src(%dma_wait3A_306 : memref<6400xi32, #tpu.memory_space<hbm>>) dst(%arg7 : memref<6400xi32, #tpu.memory_space<vmem>>)
      tpu.yield
    }) : () -> ()
    "tpu.region"() ({
      %run_scoped3A = tpu.sem_alloc : memref<!tpu.dma_semaphore, #tpu.memory_space<semaphore_mem>>
      tpu.enqueue_dma source(%arg3 : memref<4096xi32, #tpu.memory_space<hbm>>) target(%arg8 : memref<4096xi32, #tpu.memory_space<vmem>>) target_semaphore(%run_scoped3A : memref<!tpu.dma_semaphore, #tpu.memory_space<semaphore_mem>>)
      tpu.wait_dma2 semaphore(%run_scoped3A : memref<!tpu.dma_semaphore, #tpu.memory_space<semaphore_mem>>) src(%arg3 : memref<4096xi32, #tpu.memory_space<hbm>>) dst(%arg8 : memref<4096xi32, #tpu.memory_space<vmem>>)
      tpu.yield
    }) : () -> ()
    "tpu.region"() ({
      %run_scoped3A = tpu.sem_alloc : memref<!tpu.dma_semaphore, #tpu.memory_space<semaphore_mem>>
      tpu.enqueue_dma source(%arg5 : memref<128x64xf32, #tpu.memory_space<hbm>>) target(%arg13 : memref<128x64xf32, #tpu.memory_space<vmem>>) target_semaphore(%run_scoped3A : memref<!tpu.dma_semaphore, #tpu.memory_space<semaphore_mem>>)
      tpu.wait_dma2 semaphore(%run_scoped3A : memref<!tpu.dma_semaphore, #tpu.memory_space<semaphore_mem>>) src(%arg5 : memref<128x64xf32, #tpu.memory_space<hbm>>) dst(%arg13 : memref<128x64xf32, #tpu.memory_space<vmem>>)
      tpu.yield
    }) : () -> ()
    %iota3A = tpu.iota {dimensions = array<i32: 0>} : vector<16xi32>
    %broadcast_in_dim3A = arith.constant 2.000000e-02 : f32
    %broadcast_in_dim3A_3 = vector.broadcast %broadcast_in_dim3A : f32 to vector<16xf32>
    %scan3A = arith.constant 0 : i32
    %scan3A_4 = arith.constant 0 : i32
    %scan3A_5 = arith.constant 0 : i32
    %scan3A_6 = arith.constant 50 : i32
    %scan3A_7 = arith.addi %scan3A_5, %scan3A_6 : i32
    %scan3A_8 = arith.constant 1 : i32
    %scan3A_9:2 = scf.for %scan3A_305 = %scan3A_5 to %scan3A_7 step %scan3A_8 iter_args(%scan3A_306 = %scan3A, %scan3A_307 = %scan3A_4) -> (i32, i32)  : i32 {
      %mul3A_308 = arith.constant 128 : i32
      %mul3A_309 = arith.muli %scan3A_305, %mul3A_308 : i32
      %add3A_310 = arith.constant 0 : i32
      %add3A_311 = arith.addi %mul3A_309, %add3A_310 : i32
      %add3A_312 = arith.addi %mul3A_2, %add3A_311 : i32
      %add3A_313 = vector.broadcast %add3A_312 : i32 to vector<16xi32>
      %add3A_314 = arith.addi %add3A_313, %iota3A : vector<16xi32>
      %convert_element_type3A_315 = arith.sitofp %add3A_314 : vector<16xi32> to vector<16xf32>
      %mul3A_316 = arith.mulf %convert_element_type3A_315, %broadcast_in_dim3A_3 : vector<16xf32>
      %convert_element_type3A_317 = arith.fptosi %mul3A_316 : vector<16xf32> to vector<16xi32>
      %add3A_318 = arith.constant 1 : i32
      %add3A_319 = vector.broadcast %add3A_318 : i32 to vector<16xi32>
      %add3A_320 = arith.addi %convert_element_type3A_317, %add3A_319 : vector<16xi32>
      %mul3A_321 = arith.constant 50 : i32
      %mul3A_322 = vector.broadcast %mul3A_321 : i32 to vector<16xi32>
      %mul3A_323 = arith.muli %add3A_320, %mul3A_322 : vector<16xi32>
      %le3A = arith.cmpi sle, %mul3A_323, %add3A_314 : vector<16xi32>
      %add3A_324 = arith.constant 1 : i32
      %add3A_325 = vector.broadcast %add3A_324 : i32 to vector<16xi32>
      %add3A_326 = arith.addi %convert_element_type3A_317, %add3A_325 : vector<16xi32>
      %select_n3A = arith.select %le3A, %add3A_326, %convert_element_type3A_317 : vector<16xi1>, vector<16xi32>
      %mul3A_327 = arith.constant 50 : i32
      %mul3A_328 = vector.broadcast %mul3A_327 : i32 to vector<16xi32>
      %mul3A_329 = arith.muli %select_n3A, %mul3A_328 : vector<16xi32>
      %gt3A_330 = arith.cmpi sgt, %mul3A_329, %add3A_314 : vector<16xi32>
      %sub3A_331 = arith.constant 1 : i32
      %sub3A_332 = vector.broadcast %sub3A_331 : i32 to vector<16xi32>
      %sub3A_333 = arith.subi %select_n3A, %sub3A_332 : vector<16xi32>
      %select_n3A_334 = arith.select %gt3A_330, %sub3A_333, %select_n3A : vector<16xi1>, vector<16xi32>
      %mul3A_335 = arith.constant 50 : i32
      %mul3A_336 = vector.broadcast %mul3A_335 : i32 to vector<16xi32>
      %mul3A_337 = arith.muli %select_n3A_334, %mul3A_336 : vector<16xi32>
      %sub3A_338 = arith.subi %add3A_314, %mul3A_337 : vector<16xi32>
      %gather3A_339 = tpu.vector_load_idx %arg8[%select_n3A_334] : memref<4096xi32, #tpu.memory_space<vmem>>[vector<16xi32>], vector<16xi32>,
      %lt3A = arith.cmpi slt, %sub3A_338, %gather3A_339 : vector<16xi32>
      %jit3A = arith.constant 1 : i32
      %jit3A_340 = arith.constant 0 : i32
      %broadcast_in_dim3A_341 = vector.broadcast %jit3A : i32 to vector<16xi32>
      %broadcast_in_dim3A_342 = vector.broadcast %jit3A_340 : i32 to vector<16xi32>
      %select_n3A_343 = arith.select %lt3A, %broadcast_in_dim3A_341, %broadcast_in_dim3A_342 : vector<16xi1>, vector<16xi32>
      %broadcast_in_dim3A_344 = arith.constant true
      %broadcast_in_dim3A_345 = vector.broadcast %broadcast_in_dim3A_344 : i1 to vector<16xi1>
      %masked_cumsum3A = tpu.scan <sum>, %select_n3A_343 masked %broadcast_in_dim3A_345 : vector<16xi32>, vector<16xi1> -> vector<16xi32>
      %reduce_sum3A = arith.constant true
      %reduce_sum3A_346 = vector.broadcast %reduce_sum3A : i1 to vector<16xi1>
      %reduce_sum3A_347 = tpu.scan <sum>, %select_n3A_343 masked %reduce_sum3A_346 : vector<16xi32>, vector<16xi1> -> vector<16xi32>
      %reduce_sum3A_348 = vector.extract %reduce_sum3A_347[15] : i32 from vector<16xi32>
      %get3A = arith.index_cast %add3A_311 : i32 to index
      %get3A_349 = tpu.vector_load %arg7[%get3A] {strides = array<i32>} : memref<6400xi32, #tpu.memory_space<vmem>>, vector<16xi32>,
      %add3A_350 = vector.broadcast %scan3A_306 : i32 to vector<16xi32>
      %add3A_351 = arith.addi %add3A_350, %masked_cumsum3A : vector<16xi32>
      %sub3A_352 = arith.constant 1 : i32
      %sub3A_353 = vector.broadcast %sub3A_352 : i32 to vector<16xi32>
      %sub3A_354 = arith.subi %add3A_351, %sub3A_353 : vector<16xi32>
      tpu.vector_store_idx %arg9[%sub3A_354], %get3A_349 masked %lt3A : memref<6544xi32, #tpu.memory_space<vmem>>[vector<16xi32>], vector<16xi32>, vector<16xi1>
      %shift_right_arithmetic3A_355 = arith.constant 7 : i32
      %shift_right_arithmetic3A_356 = vector.broadcast %shift_right_arithmetic3A_355 : i32 to vector<16xi32>
      %shift_right_arithmetic3A_357 = arith.shrsi %sub3A_354, %shift_right_arithmetic3A_356 : vector<16xi32>
      %and3A_358 = arith.constant 127 : i32
      %and3A_359 = vector.broadcast %and3A_358 : i32 to vector<16xi32>
      %and3A_360 = arith.andi %sub3A_354, %and3A_359 : vector<16xi32>
      tpu.vector_store_idx %arg10[%shift_right_arithmetic3A_357, %and3A_360], %add3A_314 masked %lt3A : memref<52x128xi32, #tpu.memory_space<vmem>>[vector<16xi32>, vector<16xi32>], vector<16xi32>, vector<16xi1>
      %add3A_361 = arith.constant 1 : i32
      %add3A_362 = vector.broadcast %add3A_361 : i32 to vector<16xi32>
      %add3A_363 = arith.addi %iota3A, %add3A_362 : vector<16xi32>
      %sub3A_364 = arith.subi %add3A_363, %masked_cumsum3A : vector<16xi32>
      %add3A_365 = vector.broadcast %scan3A_307 : i32 to vector<16xi32>
      %add3A_366 = arith.addi %add3A_365, %sub3A_364 : vector<16xi32>
      %sub3A_367 = arith.constant 1 : i32
      %sub3A_368 = vector.broadcast %sub3A_367 : i32 to vector<16xi32>
      %sub3A_369 = arith.subi %add3A_366, %sub3A_368 : vector<16xi32>
      %shift_right_arithmetic3A_370 = arith.constant 7 : i32
      %shift_right_arithmetic3A_371 = vector.broadcast %shift_right_arithmetic3A_370 : i32 to vector<16xi32>
      %shift_right_arithmetic3A_372 = arith.shrsi %sub3A_369, %shift_right_arithmetic3A_371 : vector<16xi32>
      %and3A_373 = arith.constant 127 : i32
      %and3A_374 = vector.broadcast %and3A_373 : i32 to vector<16xi32>
      %and3A_375 = arith.andi %sub3A_369, %and3A_374 : vector<16xi32>
      %not3A = arith.constant dense<true> : vector<16xi1>
      %not3A_376 = arith.xori %lt3A, %not3A : vector<16xi1>
      tpu.vector_store_idx %arg11[%shift_right_arithmetic3A_372, %and3A_375], %add3A_314 masked %not3A_376 : memref<52x128xi32, #tpu.memory_space<vmem>>[vector<16xi32>, vector<16xi32>], vector<16xi32>, vector<16xi1>
      %add3A_377 = arith.addi %scan3A_306, %reduce_sum3A_348 : i32
      %sub3A_378 = arith.constant 16 : i32
      %sub3A_379 = arith.subi %sub3A_378, %reduce_sum3A_348 : i32
      %add3A_380 = arith.addi %scan3A_307, %sub3A_379 : i32
      %mul3A_381 = arith.constant 128 : i32
      %mul3A_382 = arith.muli %scan3A_305, %mul3A_381 : i32
      %add3A_383 = arith.constant 16 : i32
      %add3A_384 = arith.addi %mul3A_382, %add3A_383 : i32
      %add3A_385 = arith.addi %mul3A_2, %add3A_384 : i32
      %add3A_386 = vector.broadcast %add3A_385 : i32 to vector<16xi32>
      %add3A_387 = arith.addi %add3A_386, %iota3A : vector<16xi32>
      %convert_element_type3A_388 = arith.sitofp %add3A_387 : vector<16xi32> to vector<16xf32>
      %mul3A_389 = arith.mulf %convert_element_type3A_388, %broadcast_in_dim3A_3 : vector<16xf32>
      %convert_element_type3A_390 = arith.fptosi %mul3A_389 : vector<16xf32> to vector<16xi32>
      %add3A_391 = arith.constant 1 : i32
      %add3A_392 = vector.broadcast %add3A_391 : i32 to vector<16xi32>
      %add3A_393 = arith.addi %convert_element_type3A_390, %add3A_392 : vector<16xi32>
      %mul3A_394 = arith.constant 50 : i32
      %mul3A_395 = vector.broadcast %mul3A_394 : i32 to vector<16xi32>
      %mul3A_396 = arith.muli %add3A_393, %mul3A_395 : vector<16xi32>
      %le3A_397 = arith.cmpi sle, %mul3A_396, %add3A_387 : vector<16xi32>
      %add3A_398 = arith.constant 1 : i32
      %add3A_399 = vector.broadcast %add3A_398 : i32 to vector<16xi32>
      %add3A_400 = arith.addi %convert_element_type3A_390, %add3A_399 : vector<16xi32>
      %select_n3A_401 = arith.select %le3A_397, %add3A_400, %convert_element_type3A_390 : vector<16xi1>, vector<16xi32>
      %mul3A_402 = arith.constant 50 : i32
      %mul3A_403 = vector.broadcast %mul3A_402 : i32 to vector<16xi32>
      %mul3A_404 = arith.muli %select_n3A_401, %mul3A_403 : vector<16xi32>
      %gt3A_405 = arith.cmpi sgt, %mul3A_404, %add3A_387 : vector<16xi32>
      %sub3A_406 = arith.constant 1 : i32
      %sub3A_407 = vector.broadcast %sub3A_406 : i32 to vector<16xi32>
      %sub3A_408 = arith.subi %select_n3A_401, %sub3A_407 : vector<16xi32>
      %select_n3A_409 = arith.select %gt3A_405, %sub3A_408, %select_n3A_401 : vector<16xi1>, vector<16xi32>
      %mul3A_410 = arith.constant 50 : i32
      %mul3A_411 = vector.broadcast %mul3A_410 : i32 to vector<16xi32>
      %mul3A_412 = arith.muli %select_n3A_409, %mul3A_411 : vector<16xi32>
      %sub3A_413 = arith.subi %add3A_387, %mul3A_412 : vector<16xi32>
      %gather3A_414 = tpu.vector_load_idx %arg8[%select_n3A_409] : memref<4096xi32, #tpu.memory_space<vmem>>[vector<16xi32>], vector<16xi32>,
      %lt3A_415 = arith.cmpi slt, %sub3A_413, %gather3A_414 : vector<16xi32>
      %jit3A_416 = arith.constant 1 : i32
      %jit3A_417 = arith.constant 0 : i32
      %broadcast_in_dim3A_418 = vector.broadcast %jit3A_416 : i32 to vector<16xi32>
      %broadcast_in_dim3A_419 = vector.broadcast %jit3A_417 : i32 to vector<16xi32>
      %select_n3A_420 = arith.select %lt3A_415, %broadcast_in_dim3A_418, %broadcast_in_dim3A_419 : vector<16xi1>, vector<16xi32>
      %broadcast_in_dim3A_421 = arith.constant true
      %broadcast_in_dim3A_422 = vector.broadcast %broadcast_in_dim3A_421 : i1 to vector<16xi1>
      %masked_cumsum3A_423 = tpu.scan <sum>, %select_n3A_420 masked %broadcast_in_dim3A_422 : vector<16xi32>, vector<16xi1> -> vector<16xi32>
      %reduce_sum3A_424 = arith.constant true
      %reduce_sum3A_425 = vector.broadcast %reduce_sum3A_424 : i1 to vector<16xi1>
      %reduce_sum3A_426 = tpu.scan <sum>, %select_n3A_420 masked %reduce_sum3A_425 : vector<16xi32>, vector<16xi1> -> vector<16xi32>
      %reduce_sum3A_427 = vector.extract %reduce_sum3A_426[15] : i32 from vector<16xi32>
      %get3A_428 = arith.index_cast %add3A_384 : i32 to index
      %get3A_429 = tpu.vector_load %arg7[%get3A_428] {strides = array<i32>} : memref<6400xi32, #tpu.memory_space<vmem>>, vector<16xi32>,
      %add3A_430 = vector.broadcast %add3A_377 : i32 to vector<16xi32>
      %add3A_431 = arith.addi %add3A_430, %masked_cumsum3A_423 : vector<16xi32>
      %sub3A_432 = arith.constant 1 : i32
      %sub3A_433 = vector.broadcast %sub3A_432 : i32 to vector<16xi32>
      %sub3A_434 = arith.subi %add3A_431, %sub3A_433 : vector<16xi32>
      tpu.vector_store_idx %arg9[%sub3A_434], %get3A_429 masked %lt3A_415 : memref<6544xi32, #tpu.memory_space<vmem>>[vector<16xi32>], vector<16xi32>, vector<16xi1>
      %shift_right_arithmetic3A_435 = arith.constant 7 : i32
      %shift_right_arithmetic3A_436 = vector.broadcast %shift_right_arithmetic3A_435 : i32 to vector<16xi32>
      %shift_right_arithmetic3A_437 = arith.shrsi %sub3A_434, %shift_right_arithmetic3A_436 : vector<16xi32>
      %and3A_438 = arith.constant 127 : i32
      %and3A_439 = vector.broadcast %and3A_438 : i32 to vector<16xi32>
      %and3A_440 = arith.andi %sub3A_434, %and3A_439 : vector<16xi32>
      tpu.vector_store_idx %arg10[%shift_right_arithmetic3A_437, %and3A_440], %add3A_387 masked %lt3A_415 : memref<52x128xi32, #tpu.memory_space<vmem>>[vector<16xi32>, vector<16xi32>], vector<16xi32>, vector<16xi1>
      %add3A_441 = arith.constant 1 : i32
      %add3A_442 = vector.broadcast %add3A_441 : i32 to vector<16xi32>
      %add3A_443 = arith.addi %iota3A, %add3A_442 : vector<16xi32>
      %sub3A_444 = arith.subi %add3A_443, %masked_cumsum3A_423 : vector<16xi32>
      %add3A_445 = vector.broadcast %add3A_380 : i32 to vector<16xi32>
      %add3A_446 = arith.addi %add3A_445, %sub3A_444 : vector<16xi32>
      %sub3A_447 = arith.constant 1 : i32
      %sub3A_448 = vector.broadcast %sub3A_447 : i32 to vector<16xi32>
      %sub3A_449 = arith.subi %add3A_446, %sub3A_448 : vector<16xi32>
      %shift_right_arithmetic3A_450 = arith.constant 7 : i32
      %shift_right_arithmetic3A_451 = vector.broadcast %shift_right_arithmetic3A_450 : i32 to vector<16xi32>
      %shift_right_arithmetic3A_452 = arith.shrsi %sub3A_449, %shift_right_arithmetic3A_451 : vector<16xi32>
      %and3A_453 = arith.constant 127 : i32
      %and3A_454 = vector.broadcast %and3A_453 : i32 to vector<16xi32>
      %and3A_455 = arith.andi %sub3A_449, %and3A_454 : vector<16xi32>
      %not3A_456 = arith.constant dense<true> : vector<16xi1>
      %not3A_457 = arith.xori %lt3A_415, %not3A_456 : vector<16xi1>
      tpu.vector_store_idx %arg11[%shift_right_arithmetic3A_452, %and3A_455], %add3A_387 masked %not3A_457 : memref<52x128xi32, #tpu.memory_space<vmem>>[vector<16xi32>, vector<16xi32>], vector<16xi32>, vector<16xi1>
      %add3A_458 = arith.addi %add3A_377, %reduce_sum3A_427 : i32
      %sub3A_459 = arith.constant 16 : i32
      %sub3A_460 = arith.subi %sub3A_459, %reduce_sum3A_427 : i32
      %add3A_461 = arith.addi %add3A_380, %sub3A_460 : i32
      %mul3A_462 = arith.constant 128 : i32
      %mul3A_463 = arith.muli %scan3A_305, %mul3A_462 : i32
      %add3A_464 = arith.constant 32 : i32
      %add3A_465 = arith.addi %mul3A_463, %add3A_464 : i32
      %add3A_466 = arith.addi %mul3A_2, %add3A_465 : i32
      %add3A_467 = vector.broadcast %add3A_466 : i32 to vector<16xi32>
      %add3A_468 = arith.addi %add3A_467, %iota3A : vector<16xi32>
      %convert_element_type3A_469 = arith.sitofp %add3A_468 : vector<16xi32> to vector<16xf32>
      %mul3A_470 = arith.mulf %convert_element_type3A_469, %broadcast_in_dim3A_3 : vector<16xf32>
      %convert_element_type3A_471 = arith.fptosi %mul3A_470 : vector<16xf32> to vector<16xi32>
      %add3A_472 = arith.constant 1 : i32
      %add3A_473 = vector.broadcast %add3A_472 : i32 to vector<16xi32>
      %add3A_474 = arith.addi %convert_element_type3A_471, %add3A_473 : vector<16xi32>
      %mul3A_475 = arith.constant 50 : i32
      %mul3A_476 = vector.broadcast %mul3A_475 : i32 to vector<16xi32>
      %mul3A_477 = arith.muli %add3A_474, %mul3A_476 : vector<16xi32>
      %le3A_478 = arith.cmpi sle, %mul3A_477, %add3A_468 : vector<16xi32>
      %add3A_479 = arith.constant 1 : i32
      %add3A_480 = vector.broadcast %add3A_479 : i32 to vector<16xi32>
      %add3A_481 = arith.addi %convert_element_type3A_471, %add3A_480 : vector<16xi32>
      %select_n3A_482 = arith.select %le3A_478, %add3A_481, %convert_element_type3A_471 : vector<16xi1>, vector<16xi32>
      %mul3A_483 = arith.constant 50 : i32
      %mul3A_484 = vector.broadcast %mul3A_483 : i32 to vector<16xi32>
      %mul3A_485 = arith.muli %select_n3A_482, %mul3A_484 : vector<16xi32>
      %gt3A_486 = arith.cmpi sgt, %mul3A_485, %add3A_468 : vector<16xi32>
      %sub3A_487 = arith.constant 1 : i32
      %sub3A_488 = vector.broadcast %sub3A_487 : i32 to vector<16xi32>
      %sub3A_489 = arith.subi %select_n3A_482, %sub3A_488 : vector<16xi32>
      %select_n3A_490 = arith.select %gt3A_486, %sub3A_489, %select_n3A_482 : vector<16xi1>, vector<16xi32>
      %mul3A_491 = arith.constant 50 : i32
      %mul3A_492 = vector.broadcast %mul3A_491 : i32 to vector<16xi32>
      %mul3A_493 = arith.muli %select_n3A_490, %mul3A_492 : vector<16xi32>
      %sub3A_494 = arith.subi %add3A_468, %mul3A_493 : vector<16xi32>
      %gather3A_495 = tpu.vector_load_idx %arg8[%select_n3A_490] : memref<4096xi32, #tpu.memory_space<vmem>>[vector<16xi32>], vector<16xi32>,
      %lt3A_496 = arith.cmpi slt, %sub3A_494, %gather3A_495 : vector<16xi32>
      %jit3A_497 = arith.constant 1 : i32
      %jit3A_498 = arith.constant 0 : i32
      %broadcast_in_dim3A_499 = vector.broadcast %jit3A_497 : i32 to vector<16xi32>
      %broadcast_in_dim3A_500 = vector.broadcast %jit3A_498 : i32 to vector<16xi32>
      %select_n3A_501 = arith.select %lt3A_496, %broadcast_in_dim3A_499, %broadcast_in_dim3A_500 : vector<16xi1>, vector<16xi32>
      %broadcast_in_dim3A_502 = arith.constant true
      %broadcast_in_dim3A_503 = vector.broadcast %broadcast_in_dim3A_502 : i1 to vector<16xi1>
      %masked_cumsum3A_504 = tpu.scan <sum>, %select_n3A_501 masked %broadcast_in_dim3A_503 : vector<16xi32>, vector<16xi1> -> vector<16xi32>
      %reduce_sum3A_505 = arith.constant true
      %reduce_sum3A_506 = vector.broadcast %reduce_sum3A_505 : i1 to vector<16xi1>
      %reduce_sum3A_507 = tpu.scan <sum>, %select_n3A_501 masked %reduce_sum3A_506 : vector<16xi32>, vector<16xi1> -> vector<16xi32>
      %reduce_sum3A_508 = vector.extract %reduce_sum3A_507[15] : i32 from vector<16xi32>
      %get3A_509 = arith.index_cast %add3A_465 : i32 to index
      %get3A_510 = tpu.vector_load %arg7[%get3A_509] {strides = array<i32>} : memref<6400xi32, #tpu.memory_space<vmem>>, vector<16xi32>,
      %add3A_511 = vector.broadcast %add3A_458 : i32 to vector<16xi32>
      %add3A_512 = arith.addi %add3A_511, %masked_cumsum3A_504 : vector<16xi32>
      %sub3A_513 = arith.constant 1 : i32
      %sub3A_514 = vector.broadcast %sub3A_513 : i32 to vector<16xi32>
      %sub3A_515 = arith.subi %add3A_512, %sub3A_514 : vector<16xi32>
      tpu.vector_store_idx %arg9[%sub3A_515], %get3A_510 masked %lt3A_496 : memref<6544xi32, #tpu.memory_space<vmem>>[vector<16xi32>], vector<16xi32>, vector<16xi1>
      %shift_right_arithmetic3A_516 = arith.constant 7 : i32
      %shift_right_arithmetic3A_517 = vector.broadcast %shift_right_arithmetic3A_516 : i32 to vector<16xi32>
      %shift_right_arithmetic3A_518 = arith.shrsi %sub3A_515, %shift_right_arithmetic3A_517 : vector<16xi32>
      %and3A_519 = arith.constant 127 : i32
      %and3A_520 = vector.broadcast %and3A_519 : i32 to vector<16xi32>
      %and3A_521 = arith.andi %sub3A_515, %and3A_520 : vector<16xi32>
      tpu.vector_store_idx %arg10[%shift_right_arithmetic3A_518, %and3A_521], %add3A_468 masked %lt3A_496 : memref<52x128xi32, #tpu.memory_space<vmem>>[vector<16xi32>, vector<16xi32>], vector<16xi32>, vector<16xi1>
      %add3A_522 = arith.constant 1 : i32
      %add3A_523 = vector.broadcast %add3A_522 : i32 to vector<16xi32>
      %add3A_524 = arith.addi %iota3A, %add3A_523 : vector<16xi32>
      %sub3A_525 = arith.subi %add3A_524, %masked_cumsum3A_504 : vector<16xi32>
      %add3A_526 = vector.broadcast %add3A_461 : i32 to vector<16xi32>
      %add3A_527 = arith.addi %add3A_526, %sub3A_525 : vector<16xi32>
      %sub3A_528 = arith.constant 1 : i32
      %sub3A_529 = vector.broadcast %sub3A_528 : i32 to vector<16xi32>
      %sub3A_530 = arith.subi %add3A_527, %sub3A_529 : vector<16xi32>
      %shift_right_arithmetic3A_531 = arith.constant 7 : i32
      %shift_right_arithmetic3A_532 = vector.broadcast %shift_right_arithmetic3A_531 : i32 to vector<16xi32>
      %shift_right_arithmetic3A_533 = arith.shrsi %sub3A_530, %shift_right_arithmetic3A_532 : vector<16xi32>
      %and3A_534 = arith.constant 127 : i32
      %and3A_535 = vector.broadcast %and3A_534 : i32 to vector<16xi32>
      %and3A_536 = arith.andi %sub3A_530, %and3A_535 : vector<16xi32>
      %not3A_537 = arith.constant dense<true> : vector<16xi1>
      %not3A_538 = arith.xori %lt3A_496, %not3A_537 : vector<16xi1>
      tpu.vector_store_idx %arg11[%shift_right_arithmetic3A_533, %and3A_536], %add3A_468 masked %not3A_538 : memref<52x128xi32, #tpu.memory_space<vmem>>[vector<16xi32>, vector<16xi32>], vector<16xi32>, vector<16xi1>
      %add3A_539 = arith.addi %add3A_458, %reduce_sum3A_508 : i32
      %sub3A_540 = arith.constant 16 : i32
      %sub3A_541 = arith.subi %sub3A_540, %reduce_sum3A_508 : i32
      %add3A_542 = arith.addi %add3A_461, %sub3A_541 : i32
      %mul3A_543 = arith.constant 128 : i32
      %mul3A_544 = arith.muli %scan3A_305, %mul3A_543 : i32
      %add3A_545 = arith.constant 48 : i32
      %add3A_546 = arith.addi %mul3A_544, %add3A_545 : i32
      %add3A_547 = arith.addi %mul3A_2, %add3A_546 : i32
      %add3A_548 = vector.broadcast %add3A_547 : i32 to vector<16xi32>
      %add3A_549 = arith.addi %add3A_548, %iota3A : vector<16xi32>
      %convert_element_type3A_550 = arith.sitofp %add3A_549 : vector<16xi32> to vector<16xf32>
      %mul3A_551 = arith.mulf %convert_element_type3A_550, %broadcast_in_dim3A_3 : vector<16xf32>
      %convert_element_type3A_552 = arith.fptosi %mul3A_551 : vector<16xf32> to vector<16xi32>
      %add3A_553 = arith.constant 1 : i32
      %add3A_554 = vector.broadcast %add3A_553 : i32 to vector<16xi32>
      %add3A_555 = arith.addi %convert_element_type3A_552, %add3A_554 : vector<16xi32>
      %mul3A_556 = arith.constant 50 : i32
      %mul3A_557 = vector.broadcast %mul3A_556 : i32 to vector<16xi32>
      %mul3A_558 = arith.muli %add3A_555, %mul3A_557 : vector<16xi32>
      %le3A_559 = arith.cmpi sle, %mul3A_558, %add3A_549 : vector<16xi32>
      %add3A_560 = arith.constant 1 : i32
      %add3A_561 = vector.broadcast %add3A_560 : i32 to vector<16xi32>
      %add3A_562 = arith.addi %convert_element_type3A_552, %add3A_561 : vector<16xi32>
      %select_n3A_563 = arith.select %le3A_559, %add3A_562, %convert_element_type3A_552 : vector<16xi1>, vector<16xi32>
      %mul3A_564 = arith.constant 50 : i32
      %mul3A_565 = vector.broadcast %mul3A_564 : i32 to vector<16xi32>
      %mul3A_566 = arith.muli %select_n3A_563, %mul3A_565 : vector<16xi32>
      %gt3A_567 = arith.cmpi sgt, %mul3A_566, %add3A_549 : vector<16xi32>
      %sub3A_568 = arith.constant 1 : i32
      %sub3A_569 = vector.broadcast %sub3A_568 : i32 to vector<16xi32>
      %sub3A_570 = arith.subi %select_n3A_563, %sub3A_569 : vector<16xi32>
      %select_n3A_571 = arith.select %gt3A_567, %sub3A_570, %select_n3A_563 : vector<16xi1>, vector<16xi32>
      %mul3A_572 = arith.constant 50 : i32
      %mul3A_573 = vector.broadcast %mul3A_572 : i32 to vector<16xi32>
      %mul3A_574 = arith.muli %select_n3A_571, %mul3A_573 : vector<16xi32>
      %sub3A_575 = arith.subi %add3A_549, %mul3A_574 : vector<16xi32>
      %gather3A_576 = tpu.vector_load_idx %arg8[%select_n3A_571] : memref<4096xi32, #tpu.memory_space<vmem>>[vector<16xi32>], vector<16xi32>,
      %lt3A_577 = arith.cmpi slt, %sub3A_575, %gather3A_576 : vector<16xi32>
      %jit3A_578 = arith.constant 1 : i32
      %jit3A_579 = arith.constant 0 : i32
      %broadcast_in_dim3A_580 = vector.broadcast %jit3A_578 : i32 to vector<16xi32>
      %broadcast_in_dim3A_581 = vector.broadcast %jit3A_579 : i32 to vector<16xi32>
      %select_n3A_582 = arith.select %lt3A_577, %broadcast_in_dim3A_580, %broadcast_in_dim3A_581 : vector<16xi1>, vector<16xi32>
      %broadcast_in_dim3A_583 = arith.constant true
      %broadcast_in_dim3A_584 = vector.broadcast %broadcast_in_dim3A_583 : i1 to vector<16xi1>
      %masked_cumsum3A_585 = tpu.scan <sum>, %select_n3A_582 masked %broadcast_in_dim3A_584 : vector<16xi32>, vector<16xi1> -> vector<16xi32>
      %reduce_sum3A_586 = arith.constant true
      %reduce_sum3A_587 = vector.broadcast %reduce_sum3A_586 : i1 to vector<16xi1>
      %reduce_sum3A_588 = tpu.scan <sum>, %select_n3A_582 masked %reduce_sum3A_587 : vector<16xi32>, vector<16xi1> -> vector<16xi32>
      %reduce_sum3A_589 = vector.extract %reduce_sum3A_588[15] : i32 from vector<16xi32>
      %get3A_590 = arith.index_cast %add3A_546 : i32 to index
      %get3A_591 = tpu.vector_load %arg7[%get3A_590] {strides = array<i32>} : memref<6400xi32, #tpu.memory_space<vmem>>, vector<16xi32>,
      %add3A_592 = vector.broadcast %add3A_539 : i32 to vector<16xi32>
      %add3A_593 = arith.addi %add3A_592, %masked_cumsum3A_585 : vector<16xi32>
      %sub3A_594 = arith.constant 1 : i32
      %sub3A_595 = vector.broadcast %sub3A_594 : i32 to vector<16xi32>
      %sub3A_596 = arith.subi %add3A_593, %sub3A_595 : vector<16xi32>
      tpu.vector_store_idx %arg9[%sub3A_596], %get3A_591 masked %lt3A_577 : memref<6544xi32, #tpu.memory_space<vmem>>[vector<16xi32>], vector<16xi32>, vector<16xi1>
      %shift_right_arithmetic3A_597 = arith.constant 7 : i32
      %shift_right_arithmetic3A_598 = vector.broadcast %shift_right_arithmetic3A_597 : i32 to vector<16xi32>
      %shift_right_arithmetic3A_599 = arith.shrsi %sub3A_596, %shift_right_arithmetic3A_598 : vector<16xi32>
      %and3A_600 = arith.constant 127 : i32
      %and3A_601 = vector.broadcast %and3A_600 : i32 to vector<16xi32>
      %and3A_602 = arith.andi %sub3A_596, %and3A_601 : vector<16xi32>
      tpu.vector_store_idx %arg10[%shift_right_arithmetic3A_599, %and3A_602], %add3A_549 masked %lt3A_577 : memref<52x128xi32, #tpu.memory_space<vmem>>[vector<16xi32>, vector<16xi32>], vector<16xi32>, vector<16xi1>
      %add3A_603 = arith.constant 1 : i32
      %add3A_604 = vector.broadcast %add3A_603 : i32 to vector<16xi32>
      %add3A_605 = arith.addi %iota3A, %add3A_604 : vector<16xi32>
      %sub3A_606 = arith.subi %add3A_605, %masked_cumsum3A_585 : vector<16xi32>
      %add3A_607 = vector.broadcast %add3A_542 : i32 to vector<16xi32>
      %add3A_608 = arith.addi %add3A_607, %sub3A_606 : vector<16xi32>
      %sub3A_609 = arith.constant 1 : i32
      %sub3A_610 = vector.broadcast %sub3A_609 : i32 to vector<16xi32>
      %sub3A_611 = arith.subi %add3A_608, %sub3A_610 : vector<16xi32>
      %shift_right_arithmetic3A_612 = arith.constant 7 : i32
      %shift_right_arithmetic3A_613 = vector.broadcast %shift_right_arithmetic3A_612 : i32 to vector<16xi32>
      %shift_right_arithmetic3A_614 = arith.shrsi %sub3A_611, %shift_right_arithmetic3A_613 : vector<16xi32>
      %and3A_615 = arith.constant 127 : i32
      %and3A_616 = vector.broadcast %and3A_615 : i32 to vector<16xi32>
      %and3A_617 = arith.andi %sub3A_611, %and3A_616 : vector<16xi32>
      %not3A_618 = arith.constant dense<true> : vector<16xi1>
      %not3A_619 = arith.xori %lt3A_577, %not3A_618 : vector<16xi1>
      tpu.vector_store_idx %arg11[%shift_right_arithmetic3A_614, %and3A_617], %add3A_549 masked %not3A_619 : memref<52x128xi32, #tpu.memory_space<vmem>>[vector<16xi32>, vector<16xi32>], vector<16xi32>, vector<16xi1>
      %add3A_620 = arith.addi %add3A_539, %reduce_sum3A_589 : i32
      %sub3A_621 = arith.constant 16 : i32
      %sub3A_622 = arith.subi %sub3A_621, %reduce_sum3A_589 : i32
      %add3A_623 = arith.addi %add3A_542, %sub3A_622 : i32
      %mul3A_624 = arith.constant 128 : i32
      %mul3A_625 = arith.muli %scan3A_305, %mul3A_624 : i32
      %add3A_626 = arith.constant 64 : i32
      %add3A_627 = arith.addi %mul3A_625, %add3A_626 : i32
      %add3A_628 = arith.addi %mul3A_2, %add3A_627 : i32
      %add3A_629 = vector.broadcast %add3A_628 : i32 to vector<16xi32>
      %add3A_630 = arith.addi %add3A_629, %iota3A : vector<16xi32>
      %convert_element_type3A_631 = arith.sitofp %add3A_630 : vector<16xi32> to vector<16xf32>
      %mul3A_632 = arith.mulf %convert_element_type3A_631, %broadcast_in_dim3A_3 : vector<16xf32>
      %convert_element_type3A_633 = arith.fptosi %mul3A_632 : vector<16xf32> to vector<16xi32>
      %add3A_634 = arith.constant 1 : i32
      %add3A_635 = vector.broadcast %add3A_634 : i32 to vector<16xi32>
      %add3A_636 = arith.addi %convert_element_type3A_633, %add3A_635 : vector<16xi32>
      %mul3A_637 = arith.constant 50 : i32
      %mul3A_638 = vector.broadcast %mul3A_637 : i32 to vector<16xi32>
      %mul3A_639 = arith.muli %add3A_636, %mul3A_638 : vector<16xi32>
      %le3A_640 = arith.cmpi sle, %mul3A_639, %add3A_630 : vector<16xi32>
      %add3A_641 = arith.constant 1 : i32
      %add3A_642 = vector.broadcast %add3A_641 : i32 to vector<16xi32>
      %add3A_643 = arith.addi %convert_element_type3A_633, %add3A_642 : vector<16xi32>
      %select_n3A_644 = arith.select %le3A_640, %add3A_643, %convert_element_type3A_633 : vector<16xi1>, vector<16xi32>
      %mul3A_645 = arith.constant 50 : i32
      %mul3A_646 = vector.broadcast %mul3A_645 : i32 to vector<16xi32>
      %mul3A_647 = arith.muli %select_n3A_644, %mul3A_646 : vector<16xi32>
      %gt3A_648 = arith.cmpi sgt, %mul3A_647, %add3A_630 : vector<16xi32>
      %sub3A_649 = arith.constant 1 : i32
      %sub3A_650 = vector.broadcast %sub3A_649 : i32 to vector<16xi32>
      %sub3A_651 = arith.subi %select_n3A_644, %sub3A_650 : vector<16xi32>
      %select_n3A_652 = arith.select %gt3A_648, %sub3A_651, %select_n3A_644 : vector<16xi1>, vector<16xi32>
      %mul3A_653 = arith.constant 50 : i32
      %mul3A_654 = vector.broadcast %mul3A_653 : i32 to vector<16xi32>
      %mul3A_655 = arith.muli %select_n3A_652, %mul3A_654 : vector<16xi32>
      %sub3A_656 = arith.subi %add3A_630, %mul3A_655 : vector<16xi32>
      %gather3A_657 = tpu.vector_load_idx %arg8[%select_n3A_652] : memref<4096xi32, #tpu.memory_space<vmem>>[vector<16xi32>], vector<16xi32>,
      %lt3A_658 = arith.cmpi slt, %sub3A_656, %gather3A_657 : vector<16xi32>
      %jit3A_659 = arith.constant 1 : i32
      %jit3A_660 = arith.constant 0 : i32
      %broadcast_in_dim3A_661 = vector.broadcast %jit3A_659 : i32 to vector<16xi32>
      %broadcast_in_dim3A_662 = vector.broadcast %jit3A_660 : i32 to vector<16xi32>
      %select_n3A_663 = arith.select %lt3A_658, %broadcast_in_dim3A_661, %broadcast_in_dim3A_662 : vector<16xi1>, vector<16xi32>
      %broadcast_in_dim3A_664 = arith.constant true
      %broadcast_in_dim3A_665 = vector.broadcast %broadcast_in_dim3A_664 : i1 to vector<16xi1>
      %masked_cumsum3A_666 = tpu.scan <sum>, %select_n3A_663 masked %broadcast_in_dim3A_665 : vector<16xi32>, vector<16xi1> -> vector<16xi32>
      %reduce_sum3A_667 = arith.constant true
      %reduce_sum3A_668 = vector.broadcast %reduce_sum3A_667 : i1 to vector<16xi1>
      %reduce_sum3A_669 = tpu.scan <sum>, %select_n3A_663 masked %reduce_sum3A_668 : vector<16xi32>, vector<16xi1> -> vector<16xi32>
      %reduce_sum3A_670 = vector.extract %reduce_sum3A_669[15] : i32 from vector<16xi32>
      %get3A_671 = arith.index_cast %add3A_627 : i32 to index
      %get3A_672 = tpu.vector_load %arg7[%get3A_671] {strides = array<i32>} : memref<6400xi32, #tpu.memory_space<vmem>>, vector<16xi32>,
      %add3A_673 = vector.broadcast %add3A_620 : i32 to vector<16xi32>
      %add3A_674 = arith.addi %add3A_673, %masked_cumsum3A_666 : vector<16xi32>
      %sub3A_675 = arith.constant 1 : i32
      %sub3A_676 = vector.broadcast %sub3A_675 : i32 to vector<16xi32>
      %sub3A_677 = arith.subi %add3A_674, %sub3A_676 : vector<16xi32>
      tpu.vector_store_idx %arg9[%sub3A_677], %get3A_672 masked %lt3A_658 : memref<6544xi32, #tpu.memory_space<vmem>>[vector<16xi32>], vector<16xi32>, vector<16xi1>
      %shift_right_arithmetic3A_678 = arith.constant 7 : i32
      %shift_right_arithmetic3A_679 = vector.broadcast %shift_right_arithmetic3A_678 : i32 to vector<16xi32>
      %shift_right_arithmetic3A_680 = arith.shrsi %sub3A_677, %shift_right_arithmetic3A_679 : vector<16xi32>
      %and3A_681 = arith.constant 127 : i32
      %and3A_682 = vector.broadcast %and3A_681 : i32 to vector<16xi32>
      %and3A_683 = arith.andi %sub3A_677, %and3A_682 : vector<16xi32>
      tpu.vector_store_idx %arg10[%shift_right_arithmetic3A_680, %and3A_683], %add3A_630 masked %lt3A_658 : memref<52x128xi32, #tpu.memory_space<vmem>>[vector<16xi32>, vector<16xi32>], vector<16xi32>, vector<16xi1>
      %add3A_684 = arith.constant 1 : i32
      %add3A_685 = vector.broadcast %add3A_684 : i32 to vector<16xi32>
      %add3A_686 = arith.addi %iota3A, %add3A_685 : vector<16xi32>
      %sub3A_687 = arith.subi %add3A_686, %masked_cumsum3A_666 : vector<16xi32>
      %add3A_688 = vector.broadcast %add3A_623 : i32 to vector<16xi32>
      %add3A_689 = arith.addi %add3A_688, %sub3A_687 : vector<16xi32>
      %sub3A_690 = arith.constant 1 : i32
      %sub3A_691 = vector.broadcast %sub3A_690 : i32 to vector<16xi32>
      %sub3A_692 = arith.subi %add3A_689, %sub3A_691 : vector<16xi32>
      %shift_right_arithmetic3A_693 = arith.constant 7 : i32
      %shift_right_arithmetic3A_694 = vector.broadcast %shift_right_arithmetic3A_693 : i32 to vector<16xi32>
      %shift_right_arithmetic3A_695 = arith.shrsi %sub3A_692, %shift_right_arithmetic3A_694 : vector<16xi32>
      %and3A_696 = arith.constant 127 : i32
      %and3A_697 = vector.broadcast %and3A_696 : i32 to vector<16xi32>
      %and3A_698 = arith.andi %sub3A_692, %and3A_697 : vector<16xi32>
      %not3A_699 = arith.constant dense<true> : vector<16xi1>
      %not3A_700 = arith.xori %lt3A_658, %not3A_699 : vector<16xi1>
      tpu.vector_store_idx %arg11[%shift_right_arithmetic3A_695, %and3A_698], %add3A_630 masked %not3A_700 : memref<52x128xi32, #tpu.memory_space<vmem>>[vector<16xi32>, vector<16xi32>], vector<16xi32>, vector<16xi1>
      %add3A_701 = arith.addi %add3A_620, %reduce_sum3A_670 : i32
      %sub3A_702 = arith.constant 16 : i32
      %sub3A_703 = arith.subi %sub3A_702, %reduce_sum3A_670 : i32
      %add3A_704 = arith.addi %add3A_623, %sub3A_703 : i32
      %mul3A_705 = arith.constant 128 : i32
      %mul3A_706 = arith.muli %scan3A_305, %mul3A_705 : i32
      %add3A_707 = arith.constant 80 : i32
      %add3A_708 = arith.addi %mul3A_706, %add3A_707 : i32
      %add3A_709 = arith.addi %mul3A_2, %add3A_708 : i32
      %add3A_710 = vector.broadcast %add3A_709 : i32 to vector<16xi32>
      %add3A_711 = arith.addi %add3A_710, %iota3A : vector<16xi32>
      %convert_element_type3A_712 = arith.sitofp %add3A_711 : vector<16xi32> to vector<16xf32>
      %mul3A_713 = arith.mulf %convert_element_type3A_712, %broadcast_in_dim3A_3 : vector<16xf32>
      %convert_element_type3A_714 = arith.fptosi %mul3A_713 : vector<16xf32> to vector<16xi32>
      %add3A_715 = arith.constant 1 : i32
      %add3A_716 = vector.broadcast %add3A_715 : i32 to vector<16xi32>
      %add3A_717 = arith.addi %convert_element_type3A_714, %add3A_716 : vector<16xi32>
      %mul3A_718 = arith.constant 50 : i32
      %mul3A_719 = vector.broadcast %mul3A_718 : i32 to vector<16xi32>
      %mul3A_720 = arith.muli %add3A_717, %mul3A_719 : vector<16xi32>
      %le3A_721 = arith.cmpi sle, %mul3A_720, %add3A_711 : vector<16xi32>
      %add3A_722 = arith.constant 1 : i32
      %add3A_723 = vector.broadcast %add3A_722 : i32 to vector<16xi32>
      %add3A_724 = arith.addi %convert_element_type3A_714, %add3A_723 : vector<16xi32>
      %select_n3A_725 = arith.select %le3A_721, %add3A_724, %convert_element_type3A_714 : vector<16xi1>, vector<16xi32>
      %mul3A_726 = arith.constant 50 : i32
      %mul3A_727 = vector.broadcast %mul3A_726 : i32 to vector<16xi32>
      %mul3A_728 = arith.muli %select_n3A_725, %mul3A_727 : vector<16xi32>
      %gt3A_729 = arith.cmpi sgt, %mul3A_728, %add3A_711 : vector<16xi32>
      %sub3A_730 = arith.constant 1 : i32
      %sub3A_731 = vector.broadcast %sub3A_730 : i32 to vector<16xi32>
      %sub3A_732 = arith.subi %select_n3A_725, %sub3A_731 : vector<16xi32>
      %select_n3A_733 = arith.select %gt3A_729, %sub3A_732, %select_n3A_725 : vector<16xi1>, vector<16xi32>
      %mul3A_734 = arith.constant 50 : i32
      %mul3A_735 = vector.broadcast %mul3A_734 : i32 to vector<16xi32>
      %mul3A_736 = arith.muli %select_n3A_733, %mul3A_735 : vector<16xi32>
      %sub3A_737 = arith.subi %add3A_711, %mul3A_736 : vector<16xi32>
      %gather3A_738 = tpu.vector_load_idx %arg8[%select_n3A_733] : memref<4096xi32, #tpu.memory_space<vmem>>[vector<16xi32>], vector<16xi32>,
      %lt3A_739 = arith.cmpi slt, %sub3A_737, %gather3A_738 : vector<16xi32>
      %jit3A_740 = arith.constant 1 : i32
      %jit3A_741 = arith.constant 0 : i32
      %broadcast_in_dim3A_742 = vector.broadcast %jit3A_740 : i32 to vector<16xi32>
      %broadcast_in_dim3A_743 = vector.broadcast %jit3A_741 : i32 to vector<16xi32>
      %select_n3A_744 = arith.select %lt3A_739, %broadcast_in_dim3A_742, %broadcast_in_dim3A_743 : vector<16xi1>, vector<16xi32>
      %broadcast_in_dim3A_745 = arith.constant true
      %broadcast_in_dim3A_746 = vector.broadcast %broadcast_in_dim3A_745 : i1 to vector<16xi1>
      %masked_cumsum3A_747 = tpu.scan <sum>, %select_n3A_744 masked %broadcast_in_dim3A_746 : vector<16xi32>, vector<16xi1> -> vector<16xi32>
      %reduce_sum3A_748 = arith.constant true
      %reduce_sum3A_749 = vector.broadcast %reduce_sum3A_748 : i1 to vector<16xi1>
      %reduce_sum3A_750 = tpu.scan <sum>, %select_n3A_744 masked %reduce_sum3A_749 : vector<16xi32>, vector<16xi1> -> vector<16xi32>
      %reduce_sum3A_751 = vector.extract %reduce_sum3A_750[15] : i32 from vector<16xi32>
      %get3A_752 = arith.index_cast %add3A_708 : i32 to index
      %get3A_753 = tpu.vector_load %arg7[%get3A_752] {strides = array<i32>} : memref<6400xi32, #tpu.memory_space<vmem>>, vector<16xi32>,
      %add3A_754 = vector.broadcast %add3A_701 : i32 to vector<16xi32>
      %add3A_755 = arith.addi %add3A_754, %masked_cumsum3A_747 : vector<16xi32>
      %sub3A_756 = arith.constant 1 : i32
      %sub3A_757 = vector.broadcast %sub3A_756 : i32 to vector<16xi32>
      %sub3A_758 = arith.subi %add3A_755, %sub3A_757 : vector<16xi32>
      tpu.vector_store_idx %arg9[%sub3A_758], %get3A_753 masked %lt3A_739 : memref<6544xi32, #tpu.memory_space<vmem>>[vector<16xi32>], vector<16xi32>, vector<16xi1>
      %shift_right_arithmetic3A_759 = arith.constant 7 : i32
      %shift_right_arithmetic3A_760 = vector.broadcast %shift_right_arithmetic3A_759 : i32 to vector<16xi32>
      %shift_right_arithmetic3A_761 = arith.shrsi %sub3A_758, %shift_right_arithmetic3A_760 : vector<16xi32>
      %and3A_762 = arith.constant 127 : i32
      %and3A_763 = vector.broadcast %and3A_762 : i32 to vector<16xi32>
      %and3A_764 = arith.andi %sub3A_758, %and3A_763 : vector<16xi32>
      tpu.vector_store_idx %arg10[%shift_right_arithmetic3A_761, %and3A_764], %add3A_711 masked %lt3A_739 : memref<52x128xi32, #tpu.memory_space<vmem>>[vector<16xi32>, vector<16xi32>], vector<16xi32>, vector<16xi1>
      %add3A_765 = arith.constant 1 : i32
      %add3A_766 = vector.broadcast %add3A_765 : i32 to vector<16xi32>
      %add3A_767 = arith.addi %iota3A, %add3A_766 : vector<16xi32>
      %sub3A_768 = arith.subi %add3A_767, %masked_cumsum3A_747 : vector<16xi32>
      %add3A_769 = vector.broadcast %add3A_704 : i32 to vector<16xi32>
      %add3A_770 = arith.addi %add3A_769, %sub3A_768 : vector<16xi32>
      %sub3A_771 = arith.constant 1 : i32
      %sub3A_772 = vector.broadcast %sub3A_771 : i32 to vector<16xi32>
      %sub3A_773 = arith.subi %add3A_770, %sub3A_772 : vector<16xi32>
      %shift_right_arithmetic3A_774 = arith.constant 7 : i32
      %shift_right_arithmetic3A_775 = vector.broadcast %shift_right_arithmetic3A_774 : i32 to vector<16xi32>
      %shift_right_arithmetic3A_776 = arith.shrsi %sub3A_773, %shift_right_arithmetic3A_775 : vector<16xi32>
      %and3A_777 = arith.constant 127 : i32
      %and3A_778 = vector.broadcast %and3A_777 : i32 to vector<16xi32>
      %and3A_779 = arith.andi %sub3A_773, %and3A_778 : vector<16xi32>
      %not3A_780 = arith.constant dense<true> : vector<16xi1>
      %not3A_781 = arith.xori %lt3A_739, %not3A_780 : vector<16xi1>
      tpu.vector_store_idx %arg11[%shift_right_arithmetic3A_776, %and3A_779], %add3A_711 masked %not3A_781 : memref<52x128xi32, #tpu.memory_space<vmem>>[vector<16xi32>, vector<16xi32>], vector<16xi32>, vector<16xi1>
      %add3A_782 = arith.addi %add3A_701, %reduce_sum3A_751 : i32
      %sub3A_783 = arith.constant 16 : i32
      %sub3A_784 = arith.subi %sub3A_783, %reduce_sum3A_751 : i32
      %add3A_785 = arith.addi %add3A_704, %sub3A_784 : i32
      %mul3A_786 = arith.constant 128 : i32
      %mul3A_787 = arith.muli %scan3A_305, %mul3A_786 : i32
      %add3A_788 = arith.constant 96 : i32
      %add3A_789 = arith.addi %mul3A_787, %add3A_788 : i32
      %add3A_790 = arith.addi %mul3A_2, %add3A_789 : i32
      %add3A_791 = vector.broadcast %add3A_790 : i32 to vector<16xi32>
      %add3A_792 = arith.addi %add3A_791, %iota3A : vector<16xi32>
      %convert_element_type3A_793 = arith.sitofp %add3A_792 : vector<16xi32> to vector<16xf32>
      %mul3A_794 = arith.mulf %convert_element_type3A_793, %broadcast_in_dim3A_3 : vector<16xf32>
      %convert_element_type3A_795 = arith.fptosi %mul3A_794 : vector<16xf32> to vector<16xi32>
      %add3A_796 = arith.constant 1 : i32
      %add3A_797 = vector.broadcast %add3A_796 : i32 to vector<16xi32>
      %add3A_798 = arith.addi %convert_element_type3A_795, %add3A_797 : vector<16xi32>
      %mul3A_799 = arith.constant 50 : i32
      %mul3A_800 = vector.broadcast %mul3A_799 : i32 to vector<16xi32>
      %mul3A_801 = arith.muli %add3A_798, %mul3A_800 : vector<16xi32>
      %le3A_802 = arith.cmpi sle, %mul3A_801, %add3A_792 : vector<16xi32>
      %add3A_803 = arith.constant 1 : i32
      %add3A_804 = vector.broadcast %add3A_803 : i32 to vector<16xi32>
      %add3A_805 = arith.addi %convert_element_type3A_795, %add3A_804 : vector<16xi32>
      %select_n3A_806 = arith.select %le3A_802, %add3A_805, %convert_element_type3A_795 : vector<16xi1>, vector<16xi32>
      %mul3A_807 = arith.constant 50 : i32
      %mul3A_808 = vector.broadcast %mul3A_807 : i32 to vector<16xi32>
      %mul3A_809 = arith.muli %select_n3A_806, %mul3A_808 : vector<16xi32>
      %gt3A_810 = arith.cmpi sgt, %mul3A_809, %add3A_792 : vector<16xi32>
      %sub3A_811 = arith.constant 1 : i32
      %sub3A_812 = vector.broadcast %sub3A_811 : i32 to vector<16xi32>
      %sub3A_813 = arith.subi %select_n3A_806, %sub3A_812 : vector<16xi32>
      %select_n3A_814 = arith.select %gt3A_810, %sub3A_813, %select_n3A_806 : vector<16xi1>, vector<16xi32>
      %mul3A_815 = arith.constant 50 : i32
      %mul3A_816 = vector.broadcast %mul3A_815 : i32 to vector<16xi32>
      %mul3A_817 = arith.muli %select_n3A_814, %mul3A_816 : vector<16xi32>
      %sub3A_818 = arith.subi %add3A_792, %mul3A_817 : vector<16xi32>
      %gather3A_819 = tpu.vector_load_idx %arg8[%select_n3A_814] : memref<4096xi32, #tpu.memory_space<vmem>>[vector<16xi32>], vector<16xi32>,
      %lt3A_820 = arith.cmpi slt, %sub3A_818, %gather3A_819 : vector<16xi32>
      %jit3A_821 = arith.constant 1 : i32
      %jit3A_822 = arith.constant 0 : i32
      %broadcast_in_dim3A_823 = vector.broadcast %jit3A_821 : i32 to vector<16xi32>
      %broadcast_in_dim3A_824 = vector.broadcast %jit3A_822 : i32 to vector<16xi32>
      %select_n3A_825 = arith.select %lt3A_820, %broadcast_in_dim3A_823, %broadcast_in_dim3A_824 : vector<16xi1>, vector<16xi32>
      %broadcast_in_dim3A_826 = arith.constant true
      %broadcast_in_dim3A_827 = vector.broadcast %broadcast_in_dim3A_826 : i1 to vector<16xi1>
      %masked_cumsum3A_828 = tpu.scan <sum>, %select_n3A_825 masked %broadcast_in_dim3A_827 : vector<16xi32>, vector<16xi1> -> vector<16xi32>
      %reduce_sum3A_829 = arith.constant true
      %reduce_sum3A_830 = vector.broadcast %reduce_sum3A_829 : i1 to vector<16xi1>
      %reduce_sum3A_831 = tpu.scan <sum>, %select_n3A_825 masked %reduce_sum3A_830 : vector<16xi32>, vector<16xi1> -> vector<16xi32>
      %reduce_sum3A_832 = vector.extract %reduce_sum3A_831[15] : i32 from vector<16xi32>
      %get3A_833 = arith.index_cast %add3A_789 : i32 to index
      %get3A_834 = tpu.vector_load %arg7[%get3A_833] {strides = array<i32>} : memref<6400xi32, #tpu.memory_space<vmem>>, vector<16xi32>,
      %add3A_835 = vector.broadcast %add3A_782 : i32 to vector<16xi32>
      %add3A_836 = arith.addi %add3A_835, %masked_cumsum3A_828 : vector<16xi32>
      %sub3A_837 = arith.constant 1 : i32
      %sub3A_838 = vector.broadcast %sub3A_837 : i32 to vector<16xi32>
      %sub3A_839 = arith.subi %add3A_836, %sub3A_838 : vector<16xi32>
      tpu.vector_store_idx %arg9[%sub3A_839], %get3A_834 masked %lt3A_820 : memref<6544xi32, #tpu.memory_space<vmem>>[vector<16xi32>], vector<16xi32>, vector<16xi1>
      %shift_right_arithmetic3A_840 = arith.constant 7 : i32
      %shift_right_arithmetic3A_841 = vector.broadcast %shift_right_arithmetic3A_840 : i32 to vector<16xi32>
      %shift_right_arithmetic3A_842 = arith.shrsi %sub3A_839, %shift_right_arithmetic3A_841 : vector<16xi32>
      %and3A_843 = arith.constant 127 : i32
      %and3A_844 = vector.broadcast %and3A_843 : i32 to vector<16xi32>
      %and3A_845 = arith.andi %sub3A_839, %and3A_844 : vector<16xi32>
      tpu.vector_store_idx %arg10[%shift_right_arithmetic3A_842, %and3A_845], %add3A_792 masked %lt3A_820 : memref<52x128xi32, #tpu.memory_space<vmem>>[vector<16xi32>, vector<16xi32>], vector<16xi32>, vector<16xi1>
      %add3A_846 = arith.constant 1 : i32
      %add3A_847 = vector.broadcast %add3A_846 : i32 to vector<16xi32>
      %add3A_848 = arith.addi %iota3A, %add3A_847 : vector<16xi32>
      %sub3A_849 = arith.subi %add3A_848, %masked_cumsum3A_828 : vector<16xi32>
      %add3A_850 = vector.broadcast %add3A_785 : i32 to vector<16xi32>
      %add3A_851 = arith.addi %add3A_850, %sub3A_849 : vector<16xi32>
      %sub3A_852 = arith.constant 1 : i32
      %sub3A_853 = vector.broadcast %sub3A_852 : i32 to vector<16xi32>
      %sub3A_854 = arith.subi %add3A_851, %sub3A_853 : vector<16xi32>
      %shift_right_arithmetic3A_855 = arith.constant 7 : i32
      %shift_right_arithmetic3A_856 = vector.broadcast %shift_right_arithmetic3A_855 : i32 to vector<16xi32>
      %shift_right_arithmetic3A_857 = arith.shrsi %sub3A_854, %shift_right_arithmetic3A_856 : vector<16xi32>
      %and3A_858 = arith.constant 127 : i32
      %and3A_859 = vector.broadcast %and3A_858 : i32 to vector<16xi32>
      %and3A_860 = arith.andi %sub3A_854, %and3A_859 : vector<16xi32>
      %not3A_861 = arith.constant dense<true> : vector<16xi1>
      %not3A_862 = arith.xori %lt3A_820, %not3A_861 : vector<16xi1>
      tpu.vector_store_idx %arg11[%shift_right_arithmetic3A_857, %and3A_860], %add3A_792 masked %not3A_862 : memref<52x128xi32, #tpu.memory_space<vmem>>[vector<16xi32>, vector<16xi32>], vector<16xi32>, vector<16xi1>
      %add3A_863 = arith.addi %add3A_782, %reduce_sum3A_832 : i32
      %sub3A_864 = arith.constant 16 : i32
      %sub3A_865 = arith.subi %sub3A_864, %reduce_sum3A_832 : i32
      %add3A_866 = arith.addi %add3A_785, %sub3A_865 : i32
      %mul3A_867 = arith.constant 128 : i32
      %mul3A_868 = arith.muli %scan3A_305, %mul3A_867 : i32
      %add3A_869 = arith.constant 112 : i32
      %add3A_870 = arith.addi %mul3A_868, %add3A_869 : i32
      %add3A_871 = arith.addi %mul3A_2, %add3A_870 : i32
      %add3A_872 = vector.broadcast %add3A_871 : i32 to vector<16xi32>
      %add3A_873 = arith.addi %add3A_872, %iota3A : vector<16xi32>
      %convert_element_type3A_874 = arith.sitofp %add3A_873 : vector<16xi32> to vector<16xf32>
      %mul3A_875 = arith.mulf %convert_element_type3A_874, %broadcast_in_dim3A_3 : vector<16xf32>
      %convert_element_type3A_876 = arith.fptosi %mul3A_875 : vector<16xf32> to vector<16xi32>
      %add3A_877 = arith.constant 1 : i32
      %add3A_878 = vector.broadcast %add3A_877 : i32 to vector<16xi32>
      %add3A_879 = arith.addi %convert_element_type3A_876, %add3A_878 : vector<16xi32>
      %mul3A_880 = arith.constant 50 : i32
      %mul3A_881 = vector.broadcast %mul3A_880 : i32 to vector<16xi32>
      %mul3A_882 = arith.muli %add3A_879, %mul3A_881 : vector<16xi32>
      %le3A_883 = arith.cmpi sle, %mul3A_882, %add3A_873 : vector<16xi32>
      %add3A_884 = arith.constant 1 : i32
      %add3A_885 = vector.broadcast %add3A_884 : i32 to vector<16xi32>
      %add3A_886 = arith.addi %convert_element_type3A_876, %add3A_885 : vector<16xi32>
      %select_n3A_887 = arith.select %le3A_883, %add3A_886, %convert_element_type3A_876 : vector<16xi1>, vector<16xi32>
      %mul3A_888 = arith.constant 50 : i32
      %mul3A_889 = vector.broadcast %mul3A_888 : i32 to vector<16xi32>
      %mul3A_890 = arith.muli %select_n3A_887, %mul3A_889 : vector<16xi32>
      %gt3A_891 = arith.cmpi sgt, %mul3A_890, %add3A_873 : vector<16xi32>
      %sub3A_892 = arith.constant 1 : i32
      %sub3A_893 = vector.broadcast %sub3A_892 : i32 to vector<16xi32>
      %sub3A_894 = arith.subi %select_n3A_887, %sub3A_893 : vector<16xi32>
      %select_n3A_895 = arith.select %gt3A_891, %sub3A_894, %select_n3A_887 : vector<16xi1>, vector<16xi32>
      %mul3A_896 = arith.constant 50 : i32
      %mul3A_897 = vector.broadcast %mul3A_896 : i32 to vector<16xi32>
      %mul3A_898 = arith.muli %select_n3A_895, %mul3A_897 : vector<16xi32>
      %sub3A_899 = arith.subi %add3A_873, %mul3A_898 : vector<16xi32>
      %gather3A_900 = tpu.vector_load_idx %arg8[%select_n3A_895] : memref<4096xi32, #tpu.memory_space<vmem>>[vector<16xi32>], vector<16xi32>,
      %lt3A_901 = arith.cmpi slt, %sub3A_899, %gather3A_900 : vector<16xi32>
      %jit3A_902 = arith.constant 1 : i32
      %jit3A_903 = arith.constant 0 : i32
      %broadcast_in_dim3A_904 = vector.broadcast %jit3A_902 : i32 to vector<16xi32>
      %broadcast_in_dim3A_905 = vector.broadcast %jit3A_903 : i32 to vector<16xi32>
      %select_n3A_906 = arith.select %lt3A_901, %broadcast_in_dim3A_904, %broadcast_in_dim3A_905 : vector<16xi1>, vector<16xi32>
      %broadcast_in_dim3A_907 = arith.constant true
      %broadcast_in_dim3A_908 = vector.broadcast %broadcast_in_dim3A_907 : i1 to vector<16xi1>
      %masked_cumsum3A_909 = tpu.scan <sum>, %select_n3A_906 masked %broadcast_in_dim3A_908 : vector<16xi32>, vector<16xi1> -> vector<16xi32>
      %reduce_sum3A_910 = arith.constant true
      %reduce_sum3A_911 = vector.broadcast %reduce_sum3A_910 : i1 to vector<16xi1>
      %reduce_sum3A_912 = tpu.scan <sum>, %select_n3A_906 masked %reduce_sum3A_911 : vector<16xi32>, vector<16xi1> -> vector<16xi32>
      %reduce_sum3A_913 = vector.extract %reduce_sum3A_912[15] : i32 from vector<16xi32>
      %get3A_914 = arith.index_cast %add3A_870 : i32 to index
      %get3A_915 = tpu.vector_load %arg7[%get3A_914] {strides = array<i32>} : memref<6400xi32, #tpu.memory_space<vmem>>, vector<16xi32>,
      %add3A_916 = vector.broadcast %add3A_863 : i32 to vector<16xi32>
      %add3A_917 = arith.addi %add3A_916, %masked_cumsum3A_909 : vector<16xi32>
      %sub3A_918 = arith.constant 1 : i32
      %sub3A_919 = vector.broadcast %sub3A_918 : i32 to vector<16xi32>
      %sub3A_920 = arith.subi %add3A_917, %sub3A_919 : vector<16xi32>
      tpu.vector_store_idx %arg9[%sub3A_920], %get3A_915 masked %lt3A_901 : memref<6544xi32, #tpu.memory_space<vmem>>[vector<16xi32>], vector<16xi32>, vector<16xi1>
      %shift_right_arithmetic3A_921 = arith.constant 7 : i32
      %shift_right_arithmetic3A_922 = vector.broadcast %shift_right_arithmetic3A_921 : i32 to vector<16xi32>
      %shift_right_arithmetic3A_923 = arith.shrsi %sub3A_920, %shift_right_arithmetic3A_922 : vector<16xi32>
      %and3A_924 = arith.constant 127 : i32
      %and3A_925 = vector.broadcast %and3A_924 : i32 to vector<16xi32>
      %and3A_926 = arith.andi %sub3A_920, %and3A_925 : vector<16xi32>
      tpu.vector_store_idx %arg10[%shift_right_arithmetic3A_923, %and3A_926], %add3A_873 masked %lt3A_901 : memref<52x128xi32, #tpu.memory_space<vmem>>[vector<16xi32>, vector<16xi32>], vector<16xi32>, vector<16xi1>
      %add3A_927 = arith.constant 1 : i32
      %add3A_928 = vector.broadcast %add3A_927 : i32 to vector<16xi32>
      %add3A_929 = arith.addi %iota3A, %add3A_928 : vector<16xi32>
      %sub3A_930 = arith.subi %add3A_929, %masked_cumsum3A_909 : vector<16xi32>
      %add3A_931 = vector.broadcast %add3A_866 : i32 to vector<16xi32>
      %add3A_932 = arith.addi %add3A_931, %sub3A_930 : vector<16xi32>
      %sub3A_933 = arith.constant 1 : i32
      %sub3A_934 = vector.broadcast %sub3A_933 : i32 to vector<16xi32>
      %sub3A_935 = arith.subi %add3A_932, %sub3A_934 : vector<16xi32>
      %shift_right_arithmetic3A_936 = arith.constant 7 : i32
      %shift_right_arithmetic3A_937 = vector.broadcast %shift_right_arithmetic3A_936 : i32 to vector<16xi32>
      %shift_right_arithmetic3A_938 = arith.shrsi %sub3A_935, %shift_right_arithmetic3A_937 : vector<16xi32>
      %and3A_939 = arith.constant 127 : i32
      %and3A_940 = vector.broadcast %and3A_939 : i32 to vector<16xi32>
      %and3A_941 = arith.andi %sub3A_935, %and3A_940 : vector<16xi32>
      %not3A_942 = arith.constant dense<true> : vector<16xi1>
      %not3A_943 = arith.xori %lt3A_901, %not3A_942 : vector<16xi1>
      tpu.vector_store_idx %arg11[%shift_right_arithmetic3A_938, %and3A_941], %add3A_873 masked %not3A_943 : memref<52x128xi32, #tpu.memory_space<vmem>>[vector<16xi32>, vector<16xi32>], vector<16xi32>, vector<16xi1>
      %add3A_944 = arith.addi %add3A_863, %reduce_sum3A_913 : i32
      %sub3A_945 = arith.constant 16 : i32
      %sub3A_946 = arith.subi %sub3A_945, %reduce_sum3A_913 : i32
      %add3A_947 = arith.addi %add3A_866, %sub3A_946 : i32
      scf.yield %add3A_944, %add3A_947 : i32, i32
    }
    %scan3A_10 = arith.constant 50 : i32
    %broadcast_in_dim3A_11 = arith.constant 1 : i32
    %broadcast_in_dim3A_12 = vector.broadcast %broadcast_in_dim3A_11 : i32 to vector<16xi32>
    %sub3A = arith.constant 1 : i32
    %sub3A_13 = arith.subi %scan3A_9#0, %sub3A : i32
    %max3A = arith.constant 0 : i32
    %max3A_14 = arith.maxsi %sub3A_13, %max3A : i32
    %mul3A_15 = vector.broadcast %max3A_14 : i32 to vector<16xi32>
    %mul3A_16 = arith.muli %broadcast_in_dim3A_12, %mul3A_15 : vector<16xi32>
    %gather3A = tpu.vector_load_idx %arg9[%mul3A_16] : memref<6544xi32, #tpu.memory_space<vmem>>[vector<16xi32>], vector<16xi32>,
    %shift_right_arithmetic3A = arith.constant 7 : i32
    %shift_right_arithmetic3A_17 = vector.broadcast %shift_right_arithmetic3A : i32 to vector<16xi32>
    %shift_right_arithmetic3A_18 = arith.shrsi %mul3A_16, %shift_right_arithmetic3A_17 : vector<16xi32>
    %and3A = arith.constant 127 : i32
    %and3A_19 = vector.broadcast %and3A : i32 to vector<16xi32>
    %and3A_20 = arith.andi %mul3A_16, %and3A_19 : vector<16xi32>
    %gather3A_21 = tpu.vector_load_idx %arg10[%shift_right_arithmetic3A_18, %and3A_20] : memref<52x128xi32, #tpu.memory_space<vmem>>[vector<16xi32>, vector<16xi32>], vector<16xi32>,
    %broadcast_in_dim3A_22 = arith.constant 1 : i32
    %broadcast_in_dim3A_23 = vector.broadcast %broadcast_in_dim3A_22 : i32 to vector<16xi32>
    %sub3A_24 = arith.constant 1 : i32
    %sub3A_25 = arith.subi %scan3A_9#1, %sub3A_24 : i32
    %max3A_26 = arith.constant 0 : i32
    %max3A_27 = arith.maxsi %sub3A_25, %max3A_26 : i32
    %mul3A_28 = vector.broadcast %max3A_27 : i32 to vector<16xi32>
    %mul3A_29 = arith.muli %broadcast_in_dim3A_23, %mul3A_28 : vector<16xi32>
    %shift_right_arithmetic3A_30 = arith.constant 7 : i32
    %shift_right_arithmetic3A_31 = vector.broadcast %shift_right_arithmetic3A_30 : i32 to vector<16xi32>
    %shift_right_arithmetic3A_32 = arith.shrsi %mul3A_29, %shift_right_arithmetic3A_31 : vector<16xi32>
    %and3A_33 = arith.constant 127 : i32
    %and3A_34 = vector.broadcast %and3A_33 : i32 to vector<16xi32>
    %and3A_35 = arith.andi %mul3A_29, %and3A_34 : vector<16xi32>
    %gather3A_36 = tpu.vector_load_idx %arg11[%shift_right_arithmetic3A_32, %and3A_35] : memref<52x128xi32, #tpu.memory_space<vmem>>[vector<16xi32>, vector<16xi32>], vector<16xi32>,
    %and3A_37 = arith.constant -16 : i32
    %and3A_38 = arith.andi %scan3A_9#0, %and3A_37 : i32
    %and3A_39 = arith.constant -16 : i32
    %and3A_40 = arith.andi %scan3A_9#1, %and3A_39 : i32
    %add3A_41 = arith.constant 0 : i32
    %add3A_42 = arith.addi %and3A_38, %add3A_41 : i32
    %add3A_43 = vector.broadcast %add3A_42 : i32 to vector<16xi32>
    %add3A_44 = arith.addi %add3A_43, %iota3A : vector<16xi32>
    %ge3A = vector.broadcast %scan3A_9#0 : i32 to vector<16xi32>
    %ge3A_45 = arith.cmpi sge, %add3A_44, %ge3A : vector<16xi32>
    tpu.vector_store_idx %arg9[%add3A_44], %gather3A masked %ge3A_45 : memref<6544xi32, #tpu.memory_space<vmem>>[vector<16xi32>], vector<16xi32>, vector<16xi1>
    %shift_right_arithmetic3A_46 = arith.constant 7 : i32
    %shift_right_arithmetic3A_47 = vector.broadcast %shift_right_arithmetic3A_46 : i32 to vector<16xi32>
    %shift_right_arithmetic3A_48 = arith.shrsi %add3A_44, %shift_right_arithmetic3A_47 : vector<16xi32>
    %and3A_49 = arith.constant 127 : i32
    %and3A_50 = vector.broadcast %and3A_49 : i32 to vector<16xi32>
    %and3A_51 = arith.andi %add3A_44, %and3A_50 : vector<16xi32>
    tpu.vector_store_idx %arg10[%shift_right_arithmetic3A_48, %and3A_51], %gather3A_21 masked %ge3A_45 : memref<52x128xi32, #tpu.memory_space<vmem>>[vector<16xi32>, vector<16xi32>], vector<16xi32>, vector<16xi1>
    %add3A_52 = arith.constant 0 : i32
    %add3A_53 = arith.addi %and3A_40, %add3A_52 : i32
    %add3A_54 = vector.broadcast %add3A_53 : i32 to vector<16xi32>
    %add3A_55 = arith.addi %add3A_54, %iota3A : vector<16xi32>
    %shift_right_arithmetic3A_56 = arith.constant 7 : i32
    %shift_right_arithmetic3A_57 = vector.broadcast %shift_right_arithmetic3A_56 : i32 to vector<16xi32>
    %shift_right_arithmetic3A_58 = arith.shrsi %add3A_55, %shift_right_arithmetic3A_57 : vector<16xi32>
    %and3A_59 = arith.constant 127 : i32
    %and3A_60 = vector.broadcast %and3A_59 : i32 to vector<16xi32>
    %and3A_61 = arith.andi %add3A_55, %and3A_60 : vector<16xi32>
    %ge3A_62 = vector.broadcast %scan3A_9#1 : i32 to vector<16xi32>
    %ge3A_63 = arith.cmpi sge, %add3A_55, %ge3A_62 : vector<16xi32>
    tpu.vector_store_idx %arg11[%shift_right_arithmetic3A_58, %and3A_61], %gather3A_36 masked %ge3A_63 : memref<52x128xi32, #tpu.memory_space<vmem>>[vector<16xi32>, vector<16xi32>], vector<16xi32>, vector<16xi1>
    %add3A_64 = arith.constant 16 : i32
    %add3A_65 = arith.addi %and3A_38, %add3A_64 : i32
    %add3A_66 = vector.broadcast %add3A_65 : i32 to vector<16xi32>
    %add3A_67 = arith.addi %add3A_66, %iota3A : vector<16xi32>
    %ge3A_68 = vector.broadcast %scan3A_9#0 : i32 to vector<16xi32>
    %ge3A_69 = arith.cmpi sge, %add3A_67, %ge3A_68 : vector<16xi32>
    tpu.vector_store_idx %arg9[%add3A_67], %gather3A masked %ge3A_69 : memref<6544xi32, #tpu.memory_space<vmem>>[vector<16xi32>], vector<16xi32>, vector<16xi1>
    %shift_right_arithmetic3A_70 = arith.constant 7 : i32
    %shift_right_arithmetic3A_71 = vector.broadcast %shift_right_arithmetic3A_70 : i32 to vector<16xi32>
    %shift_right_arithmetic3A_72 = arith.shrsi %add3A_67, %shift_right_arithmetic3A_71 : vector<16xi32>
    %and3A_73 = arith.constant 127 : i32
    %and3A_74 = vector.broadcast %and3A_73 : i32 to vector<16xi32>
    %and3A_75 = arith.andi %add3A_67, %and3A_74 : vector<16xi32>
    tpu.vector_store_idx %arg10[%shift_right_arithmetic3A_72, %and3A_75], %gather3A_21 masked %ge3A_69 : memref<52x128xi32, #tpu.memory_space<vmem>>[vector<16xi32>, vector<16xi32>], vector<16xi32>, vector<16xi1>
    %add3A_76 = arith.constant 16 : i32
    %add3A_77 = arith.addi %and3A_40, %add3A_76 : i32
    %add3A_78 = vector.broadcast %add3A_77 : i32 to vector<16xi32>
    %add3A_79 = arith.addi %add3A_78, %iota3A : vector<16xi32>
    %shift_right_arithmetic3A_80 = arith.constant 7 : i32
    %shift_right_arithmetic3A_81 = vector.broadcast %shift_right_arithmetic3A_80 : i32 to vector<16xi32>
    %shift_right_arithmetic3A_82 = arith.shrsi %add3A_79, %shift_right_arithmetic3A_81 : vector<16xi32>
    %and3A_83 = arith.constant 127 : i32
    %and3A_84 = vector.broadcast %and3A_83 : i32 to vector<16xi32>
    %and3A_85 = arith.andi %add3A_79, %and3A_84 : vector<16xi32>
    %ge3A_86 = vector.broadcast %scan3A_9#1 : i32 to vector<16xi32>
    %ge3A_87 = arith.cmpi sge, %add3A_79, %ge3A_86 : vector<16xi32>
    tpu.vector_store_idx %arg11[%shift_right_arithmetic3A_82, %and3A_85], %gather3A_36 masked %ge3A_87 : memref<52x128xi32, #tpu.memory_space<vmem>>[vector<16xi32>, vector<16xi32>], vector<16xi32>, vector<16xi1>
    %add3A_88 = arith.constant 32 : i32
    %add3A_89 = arith.addi %and3A_38, %add3A_88 : i32
    %add3A_90 = vector.broadcast %add3A_89 : i32 to vector<16xi32>
    %add3A_91 = arith.addi %add3A_90, %iota3A : vector<16xi32>
    %ge3A_92 = vector.broadcast %scan3A_9#0 : i32 to vector<16xi32>
    %ge3A_93 = arith.cmpi sge, %add3A_91, %ge3A_92 : vector<16xi32>
    tpu.vector_store_idx %arg9[%add3A_91], %gather3A masked %ge3A_93 : memref<6544xi32, #tpu.memory_space<vmem>>[vector<16xi32>], vector<16xi32>, vector<16xi1>
    %shift_right_arithmetic3A_94 = arith.constant 7 : i32
    %shift_right_arithmetic3A_95 = vector.broadcast %shift_right_arithmetic3A_94 : i32 to vector<16xi32>
    %shift_right_arithmetic3A_96 = arith.shrsi %add3A_91, %shift_right_arithmetic3A_95 : vector<16xi32>
    %and3A_97 = arith.constant 127 : i32
    %and3A_98 = vector.broadcast %and3A_97 : i32 to vector<16xi32>
    %and3A_99 = arith.andi %add3A_91, %and3A_98 : vector<16xi32>
    tpu.vector_store_idx %arg10[%shift_right_arithmetic3A_96, %and3A_99], %gather3A_21 masked %ge3A_93 : memref<52x128xi32, #tpu.memory_space<vmem>>[vector<16xi32>, vector<16xi32>], vector<16xi32>, vector<16xi1>
    %add3A_100 = arith.constant 32 : i32
    %add3A_101 = arith.addi %and3A_40, %add3A_100 : i32
    %add3A_102 = vector.broadcast %add3A_101 : i32 to vector<16xi32>
    %add3A_103 = arith.addi %add3A_102, %iota3A : vector<16xi32>
    %shift_right_arithmetic3A_104 = arith.constant 7 : i32
    %shift_right_arithmetic3A_105 = vector.broadcast %shift_right_arithmetic3A_104 : i32 to vector<16xi32>
    %shift_right_arithmetic3A_106 = arith.shrsi %add3A_103, %shift_right_arithmetic3A_105 : vector<16xi32>
    %and3A_107 = arith.constant 127 : i32
    %and3A_108 = vector.broadcast %and3A_107 : i32 to vector<16xi32>
    %and3A_109 = arith.andi %add3A_103, %and3A_108 : vector<16xi32>
    %ge3A_110 = vector.broadcast %scan3A_9#1 : i32 to vector<16xi32>
    %ge3A_111 = arith.cmpi sge, %add3A_103, %ge3A_110 : vector<16xi32>
    tpu.vector_store_idx %arg11[%shift_right_arithmetic3A_106, %and3A_109], %gather3A_36 masked %ge3A_111 : memref<52x128xi32, #tpu.memory_space<vmem>>[vector<16xi32>, vector<16xi32>], vector<16xi32>, vector<16xi1>
    %add3A_112 = arith.constant 48 : i32
    %add3A_113 = arith.addi %and3A_38, %add3A_112 : i32
    %add3A_114 = vector.broadcast %add3A_113 : i32 to vector<16xi32>
    %add3A_115 = arith.addi %add3A_114, %iota3A : vector<16xi32>
    %ge3A_116 = vector.broadcast %scan3A_9#0 : i32 to vector<16xi32>
    %ge3A_117 = arith.cmpi sge, %add3A_115, %ge3A_116 : vector<16xi32>
    tpu.vector_store_idx %arg9[%add3A_115], %gather3A masked %ge3A_117 : memref<6544xi32, #tpu.memory_space<vmem>>[vector<16xi32>], vector<16xi32>, vector<16xi1>
    %shift_right_arithmetic3A_118 = arith.constant 7 : i32
    %shift_right_arithmetic3A_119 = vector.broadcast %shift_right_arithmetic3A_118 : i32 to vector<16xi32>
    %shift_right_arithmetic3A_120 = arith.shrsi %add3A_115, %shift_right_arithmetic3A_119 : vector<16xi32>
    %and3A_121 = arith.constant 127 : i32
    %and3A_122 = vector.broadcast %and3A_121 : i32 to vector<16xi32>
    %and3A_123 = arith.andi %add3A_115, %and3A_122 : vector<16xi32>
    tpu.vector_store_idx %arg10[%shift_right_arithmetic3A_120, %and3A_123], %gather3A_21 masked %ge3A_117 : memref<52x128xi32, #tpu.memory_space<vmem>>[vector<16xi32>, vector<16xi32>], vector<16xi32>, vector<16xi1>
    %add3A_124 = arith.constant 48 : i32
    %add3A_125 = arith.addi %and3A_40, %add3A_124 : i32
    %add3A_126 = vector.broadcast %add3A_125 : i32 to vector<16xi32>
    %add3A_127 = arith.addi %add3A_126, %iota3A : vector<16xi32>
    %shift_right_arithmetic3A_128 = arith.constant 7 : i32
    %shift_right_arithmetic3A_129 = vector.broadcast %shift_right_arithmetic3A_128 : i32 to vector<16xi32>
    %shift_right_arithmetic3A_130 = arith.shrsi %add3A_127, %shift_right_arithmetic3A_129 : vector<16xi32>
    %and3A_131 = arith.constant 127 : i32
    %and3A_132 = vector.broadcast %and3A_131 : i32 to vector<16xi32>
    %and3A_133 = arith.andi %add3A_127, %and3A_132 : vector<16xi32>
    %ge3A_134 = vector.broadcast %scan3A_9#1 : i32 to vector<16xi32>
    %ge3A_135 = arith.cmpi sge, %add3A_127, %ge3A_134 : vector<16xi32>
    tpu.vector_store_idx %arg11[%shift_right_arithmetic3A_130, %and3A_133], %gather3A_36 masked %ge3A_135 : memref<52x128xi32, #tpu.memory_space<vmem>>[vector<16xi32>, vector<16xi32>], vector<16xi32>, vector<16xi1>
    %add3A_136 = arith.constant 64 : i32
    %add3A_137 = arith.addi %and3A_38, %add3A_136 : i32
    %add3A_138 = vector.broadcast %add3A_137 : i32 to vector<16xi32>
    %add3A_139 = arith.addi %add3A_138, %iota3A : vector<16xi32>
    %ge3A_140 = vector.broadcast %scan3A_9#0 : i32 to vector<16xi32>
    %ge3A_141 = arith.cmpi sge, %add3A_139, %ge3A_140 : vector<16xi32>
    tpu.vector_store_idx %arg9[%add3A_139], %gather3A masked %ge3A_141 : memref<6544xi32, #tpu.memory_space<vmem>>[vector<16xi32>], vector<16xi32>, vector<16xi1>
    %shift_right_arithmetic3A_142 = arith.constant 7 : i32
    %shift_right_arithmetic3A_143 = vector.broadcast %shift_right_arithmetic3A_142 : i32 to vector<16xi32>
    %shift_right_arithmetic3A_144 = arith.shrsi %add3A_139, %shift_right_arithmetic3A_143 : vector<16xi32>
    %and3A_145 = arith.constant 127 : i32
    %and3A_146 = vector.broadcast %and3A_145 : i32 to vector<16xi32>
    %and3A_147 = arith.andi %add3A_139, %and3A_146 : vector<16xi32>
    tpu.vector_store_idx %arg10[%shift_right_arithmetic3A_144, %and3A_147], %gather3A_21 masked %ge3A_141 : memref<52x128xi32, #tpu.memory_space<vmem>>[vector<16xi32>, vector<16xi32>], vector<16xi32>, vector<16xi1>
    %add3A_148 = arith.constant 64 : i32
    %add3A_149 = arith.addi %and3A_40, %add3A_148 : i32
    %add3A_150 = vector.broadcast %add3A_149 : i32 to vector<16xi32>
    %add3A_151 = arith.addi %add3A_150, %iota3A : vector<16xi32>
    %shift_right_arithmetic3A_152 = arith.constant 7 : i32
    %shift_right_arithmetic3A_153 = vector.broadcast %shift_right_arithmetic3A_152 : i32 to vector<16xi32>
    %shift_right_arithmetic3A_154 = arith.shrsi %add3A_151, %shift_right_arithmetic3A_153 : vector<16xi32>
    %and3A_155 = arith.constant 127 : i32
    %and3A_156 = vector.broadcast %and3A_155 : i32 to vector<16xi32>
    %and3A_157 = arith.andi %add3A_151, %and3A_156 : vector<16xi32>
    %ge3A_158 = vector.broadcast %scan3A_9#1 : i32 to vector<16xi32>
    %ge3A_159 = arith.cmpi sge, %add3A_151, %ge3A_158 : vector<16xi32>
    tpu.vector_store_idx %arg11[%shift_right_arithmetic3A_154, %and3A_157], %gather3A_36 masked %ge3A_159 : memref<52x128xi32, #tpu.memory_space<vmem>>[vector<16xi32>, vector<16xi32>], vector<16xi32>, vector<16xi1>
    %add3A_160 = arith.constant 80 : i32
    %add3A_161 = arith.addi %and3A_38, %add3A_160 : i32
    %add3A_162 = vector.broadcast %add3A_161 : i32 to vector<16xi32>
    %add3A_163 = arith.addi %add3A_162, %iota3A : vector<16xi32>
    %ge3A_164 = vector.broadcast %scan3A_9#0 : i32 to vector<16xi32>
    %ge3A_165 = arith.cmpi sge, %add3A_163, %ge3A_164 : vector<16xi32>
    tpu.vector_store_idx %arg9[%add3A_163], %gather3A masked %ge3A_165 : memref<6544xi32, #tpu.memory_space<vmem>>[vector<16xi32>], vector<16xi32>, vector<16xi1>
    %shift_right_arithmetic3A_166 = arith.constant 7 : i32
    %shift_right_arithmetic3A_167 = vector.broadcast %shift_right_arithmetic3A_166 : i32 to vector<16xi32>
    %shift_right_arithmetic3A_168 = arith.shrsi %add3A_163, %shift_right_arithmetic3A_167 : vector<16xi32>
    %and3A_169 = arith.constant 127 : i32
    %and3A_170 = vector.broadcast %and3A_169 : i32 to vector<16xi32>
    %and3A_171 = arith.andi %add3A_163, %and3A_170 : vector<16xi32>
    tpu.vector_store_idx %arg10[%shift_right_arithmetic3A_168, %and3A_171], %gather3A_21 masked %ge3A_165 : memref<52x128xi32, #tpu.memory_space<vmem>>[vector<16xi32>, vector<16xi32>], vector<16xi32>, vector<16xi1>
    %add3A_172 = arith.constant 80 : i32
    %add3A_173 = arith.addi %and3A_40, %add3A_172 : i32
    %add3A_174 = vector.broadcast %add3A_173 : i32 to vector<16xi32>
    %add3A_175 = arith.addi %add3A_174, %iota3A : vector<16xi32>
    %shift_right_arithmetic3A_176 = arith.constant 7 : i32
    %shift_right_arithmetic3A_177 = vector.broadcast %shift_right_arithmetic3A_176 : i32 to vector<16xi32>
    %shift_right_arithmetic3A_178 = arith.shrsi %add3A_175, %shift_right_arithmetic3A_177 : vector<16xi32>
    %and3A_179 = arith.constant 127 : i32
    %and3A_180 = vector.broadcast %and3A_179 : i32 to vector<16xi32>
    %and3A_181 = arith.andi %add3A_175, %and3A_180 : vector<16xi32>
    %ge3A_182 = vector.broadcast %scan3A_9#1 : i32 to vector<16xi32>
    %ge3A_183 = arith.cmpi sge, %add3A_175, %ge3A_182 : vector<16xi32>
    tpu.vector_store_idx %arg11[%shift_right_arithmetic3A_178, %and3A_181], %gather3A_36 masked %ge3A_183 : memref<52x128xi32, #tpu.memory_space<vmem>>[vector<16xi32>, vector<16xi32>], vector<16xi32>, vector<16xi1>
    %add3A_184 = arith.constant 96 : i32
    %add3A_185 = arith.addi %and3A_38, %add3A_184 : i32
    %add3A_186 = vector.broadcast %add3A_185 : i32 to vector<16xi32>
    %add3A_187 = arith.addi %add3A_186, %iota3A : vector<16xi32>
    %ge3A_188 = vector.broadcast %scan3A_9#0 : i32 to vector<16xi32>
    %ge3A_189 = arith.cmpi sge, %add3A_187, %ge3A_188 : vector<16xi32>
    tpu.vector_store_idx %arg9[%add3A_187], %gather3A masked %ge3A_189 : memref<6544xi32, #tpu.memory_space<vmem>>[vector<16xi32>], vector<16xi32>, vector<16xi1>
    %shift_right_arithmetic3A_190 = arith.constant 7 : i32
    %shift_right_arithmetic3A_191 = vector.broadcast %shift_right_arithmetic3A_190 : i32 to vector<16xi32>
    %shift_right_arithmetic3A_192 = arith.shrsi %add3A_187, %shift_right_arithmetic3A_191 : vector<16xi32>
    %and3A_193 = arith.constant 127 : i32
    %and3A_194 = vector.broadcast %and3A_193 : i32 to vector<16xi32>
    %and3A_195 = arith.andi %add3A_187, %and3A_194 : vector<16xi32>
    tpu.vector_store_idx %arg10[%shift_right_arithmetic3A_192, %and3A_195], %gather3A_21 masked %ge3A_189 : memref<52x128xi32, #tpu.memory_space<vmem>>[vector<16xi32>, vector<16xi32>], vector<16xi32>, vector<16xi1>
    %add3A_196 = arith.constant 96 : i32
    %add3A_197 = arith.addi %and3A_40, %add3A_196 : i32
    %add3A_198 = vector.broadcast %add3A_197 : i32 to vector<16xi32>
    %add3A_199 = arith.addi %add3A_198, %iota3A : vector<16xi32>
    %shift_right_arithmetic3A_200 = arith.constant 7 : i32
    %shift_right_arithmetic3A_201 = vector.broadcast %shift_right_arithmetic3A_200 : i32 to vector<16xi32>
    %shift_right_arithmetic3A_202 = arith.shrsi %add3A_199, %shift_right_arithmetic3A_201 : vector<16xi32>
    %and3A_203 = arith.constant 127 : i32
    %and3A_204 = vector.broadcast %and3A_203 : i32 to vector<16xi32>
    %and3A_205 = arith.andi %add3A_199, %and3A_204 : vector<16xi32>
    %ge3A_206 = vector.broadcast %scan3A_9#1 : i32 to vector<16xi32>
    %ge3A_207 = arith.cmpi sge, %add3A_199, %ge3A_206 : vector<16xi32>
    tpu.vector_store_idx %arg11[%shift_right_arithmetic3A_202, %and3A_205], %gather3A_36 masked %ge3A_207 : memref<52x128xi32, #tpu.memory_space<vmem>>[vector<16xi32>, vector<16xi32>], vector<16xi32>, vector<16xi1>
    %add3A_208 = arith.constant 112 : i32
    %add3A_209 = arith.addi %and3A_38, %add3A_208 : i32
    %add3A_210 = vector.broadcast %add3A_209 : i32 to vector<16xi32>
    %add3A_211 = arith.addi %add3A_210, %iota3A : vector<16xi32>
    %ge3A_212 = vector.broadcast %scan3A_9#0 : i32 to vector<16xi32>
    %ge3A_213 = arith.cmpi sge, %add3A_211, %ge3A_212 : vector<16xi32>
    tpu.vector_store_idx %arg9[%add3A_211], %gather3A masked %ge3A_213 : memref<6544xi32, #tpu.memory_space<vmem>>[vector<16xi32>], vector<16xi32>, vector<16xi1>
    %shift_right_arithmetic3A_214 = arith.constant 7 : i32
    %shift_right_arithmetic3A_215 = vector.broadcast %shift_right_arithmetic3A_214 : i32 to vector<16xi32>
    %shift_right_arithmetic3A_216 = arith.shrsi %add3A_211, %shift_right_arithmetic3A_215 : vector<16xi32>
    %and3A_217 = arith.constant 127 : i32
    %and3A_218 = vector.broadcast %and3A_217 : i32 to vector<16xi32>
    %and3A_219 = arith.andi %add3A_211, %and3A_218 : vector<16xi32>
    tpu.vector_store_idx %arg10[%shift_right_arithmetic3A_216, %and3A_219], %gather3A_21 masked %ge3A_213 : memref<52x128xi32, #tpu.memory_space<vmem>>[vector<16xi32>, vector<16xi32>], vector<16xi32>, vector<16xi1>
    %add3A_220 = arith.constant 112 : i32
    %add3A_221 = arith.addi %and3A_40, %add3A_220 : i32
    %add3A_222 = vector.broadcast %add3A_221 : i32 to vector<16xi32>
    %add3A_223 = arith.addi %add3A_222, %iota3A : vector<16xi32>
    %shift_right_arithmetic3A_224 = arith.constant 7 : i32
    %shift_right_arithmetic3A_225 = vector.broadcast %shift_right_arithmetic3A_224 : i32 to vector<16xi32>
    %shift_right_arithmetic3A_226 = arith.shrsi %add3A_223, %shift_right_arithmetic3A_225 : vector<16xi32>
    %and3A_227 = arith.constant 127 : i32
    %and3A_228 = vector.broadcast %and3A_227 : i32 to vector<16xi32>
    %and3A_229 = arith.andi %add3A_223, %and3A_228 : vector<16xi32>
    %ge3A_230 = vector.broadcast %scan3A_9#1 : i32 to vector<16xi32>
    %ge3A_231 = arith.cmpi sge, %add3A_223, %ge3A_230 : vector<16xi32>
    tpu.vector_store_idx %arg11[%shift_right_arithmetic3A_226, %and3A_229], %gather3A_36 masked %ge3A_231 : memref<52x128xi32, #tpu.memory_space<vmem>>[vector<16xi32>, vector<16xi32>], vector<16xi32>, vector<16xi1>
    %add3A_232 = arith.constant 128 : i32
    %add3A_233 = arith.addi %and3A_38, %add3A_232 : i32
    %add3A_234 = vector.broadcast %add3A_233 : i32 to vector<16xi32>
    %add3A_235 = arith.addi %add3A_234, %iota3A : vector<16xi32>
    %ge3A_236 = vector.broadcast %scan3A_9#0 : i32 to vector<16xi32>
    %ge3A_237 = arith.cmpi sge, %add3A_235, %ge3A_236 : vector<16xi32>
    tpu.vector_store_idx %arg9[%add3A_235], %gather3A masked %ge3A_237 : memref<6544xi32, #tpu.memory_space<vmem>>[vector<16xi32>], vector<16xi32>, vector<16xi1>
    %shift_right_arithmetic3A_238 = arith.constant 7 : i32
    %shift_right_arithmetic3A_239 = vector.broadcast %shift_right_arithmetic3A_238 : i32 to vector<16xi32>
    %shift_right_arithmetic3A_240 = arith.shrsi %add3A_235, %shift_right_arithmetic3A_239 : vector<16xi32>
    %and3A_241 = arith.constant 127 : i32
    %and3A_242 = vector.broadcast %and3A_241 : i32 to vector<16xi32>
    %and3A_243 = arith.andi %add3A_235, %and3A_242 : vector<16xi32>
    tpu.vector_store_idx %arg10[%shift_right_arithmetic3A_240, %and3A_243], %gather3A_21 masked %ge3A_237 : memref<52x128xi32, #tpu.memory_space<vmem>>[vector<16xi32>, vector<16xi32>], vector<16xi32>, vector<16xi1>
    %add3A_244 = arith.constant 128 : i32
    %add3A_245 = arith.addi %and3A_40, %add3A_244 : i32
    %add3A_246 = vector.broadcast %add3A_245 : i32 to vector<16xi32>
    %add3A_247 = arith.addi %add3A_246, %iota3A : vector<16xi32>
    %shift_right_arithmetic3A_248 = arith.constant 7 : i32
    %shift_right_arithmetic3A_249 = vector.broadcast %shift_right_arithmetic3A_248 : i32 to vector<16xi32>
    %shift_right_arithmetic3A_250 = arith.shrsi %add3A_247, %shift_right_arithmetic3A_249 : vector<16xi32>
    %and3A_251 = arith.constant 127 : i32
    %and3A_252 = vector.broadcast %and3A_251 : i32 to vector<16xi32>
    %and3A_253 = arith.andi %add3A_247, %and3A_252 : vector<16xi32>
    %ge3A_254 = vector.broadcast %scan3A_9#1 : i32 to vector<16xi32>
    %ge3A_255 = arith.cmpi sge, %add3A_247, %ge3A_254 : vector<16xi32>
    tpu.vector_store_idx %arg11[%shift_right_arithmetic3A_250, %and3A_253], %gather3A_36 masked %ge3A_255 : memref<52x128xi32, #tpu.memory_space<vmem>>[vector<16xi32>, vector<16xi32>], vector<16xi32>, vector<16xi1>
    %add3A_256 = arith.constant 128 : i32
    %add3A_257 = arith.addi %scan3A_9#0, %add3A_256 : i32
    %sub3A_258 = arith.constant 1 : i32
    %sub3A_259 = arith.subi %add3A_257, %sub3A_258 : i32
    %shift_right_arithmetic3A_260 = arith.constant 7 : i32
    %shift_right_arithmetic3A_261 = arith.shrsi %sub3A_259, %shift_right_arithmetic3A_260 : i32
    %add3A_262 = arith.constant 128 : i32
    %add3A_263 = arith.addi %scan3A_9#1, %add3A_262 : i32
    %sub3A_264 = arith.constant 1 : i32
    %sub3A_265 = arith.subi %add3A_263, %sub3A_264 : i32
    %shift_right_arithmetic3A_266 = arith.constant 7 : i32
    %shift_right_arithmetic3A_267 = arith.shrsi %sub3A_265, %shift_right_arithmetic3A_266 : i32
    %while3A = arith.constant 0 : i32
    %while3A_268 = arith.constant 0 : i32
    %while3A_269 = arith.subi %shift_right_arithmetic3A_267, %while3A : i32
    %while3A_270 = arith.addi %while3A, %while3A_269 : i32
    %while3A_271 = arith.constant 1 : i32
    %while3A_272 = arith.divsi %while3A_269, %while3A_271 : i32
    %while3A_273 = arith.muli %while3A_272, %while3A_271 : i32
    %while3A_274 = arith.addi %while3A, %while3A_273 : i32
    %while3A_275 = arith.constant 1 : i32
    %while3A_276 = scf.for %while3A_305 = %while3A to %while3A_274 step %while3A_275 iter_args(%while3A_306 = %while3A_268) -> (i32)  : i32 {
      %dma_start3A = arith.constant 0 : i32
      %dma_start3A_307 = tpu.memref_slice %arg11[%while3A_305, %dma_start3A] : memref<52x128xi32, #tpu.memory_space<vmem>> -> memref<1x128xi32, #tpu.memory_space<vmem>>
      %dma_start3A_308 = tpu.memref_squeeze %dma_start3A_307 : memref<1x128xi32, #tpu.memory_space<vmem>> -> memref<128xi32, #tpu.memory_space<vmem>>
      %dma_start3A_309 = arith.constant 0 : i32
      %dma_start3A_310 = arith.constant 0 : i32
      %dma_start3A_311 = tpu.memref_slice %arg6[%dma_start3A_309, %dma_start3A_310] : memref<204800x64xf32, #tpu.memory_space<hbm>> -> memref<204800x64xf32, #tpu.memory_space<hbm>>
      tpu.enqueue_indirect_dma source(%arg13 : memref<128x64xf32, #tpu.memory_space<vmem>>) target(%dma_start3A_311 : memref<204800x64xf32, #tpu.memory_space<hbm>>) offsets(%dma_start3A_308 : memref<128xi32, #tpu.memory_space<vmem>>) semaphore(%arg16 : memref<!tpu.dma_semaphore, #tpu.memory_space<semaphore_mem>>)
      %while3A_312 = arith.constant 0 : i32
      scf.yield %while3A_312 : i32
    }
    %while3A_277 = arith.constant 1 : i32
    %while3A_278 = scf.for %while3A_305 = %while3A_274 to %while3A_270 step %while3A_277 iter_args(%while3A_306 = %while3A_276) -> (i32)  : i32 {
      %dma_start3A = arith.constant 0 : i32
      %dma_start3A_307 = tpu.memref_slice %arg11[%while3A_305, %dma_start3A] : memref<52x128xi32, #tpu.memory_space<vmem>> -> memref<1x128xi32, #tpu.memory_space<vmem>>
      %dma_start3A_308 = tpu.memref_squeeze %dma_start3A_307 : memref<1x128xi32, #tpu.memory_space<vmem>> -> memref<128xi32, #tpu.memory_space<vmem>>
      %dma_start3A_309 = arith.constant 0 : i32
      %dma_start3A_310 = arith.constant 0 : i32
      %dma_start3A_311 = tpu.memref_slice %arg6[%dma_start3A_309, %dma_start3A_310] : memref<204800x64xf32, #tpu.memory_space<hbm>> -> memref<204800x64xf32, #tpu.memory_space<hbm>>
      tpu.enqueue_indirect_dma source(%arg13 : memref<128x64xf32, #tpu.memory_space<vmem>>) target(%dma_start3A_311 : memref<204800x64xf32, #tpu.memory_space<hbm>>) offsets(%dma_start3A_308 : memref<128xi32, #tpu.memory_space<vmem>>) semaphore(%arg16 : memref<!tpu.dma_semaphore, #tpu.memory_space<semaphore_mem>>)
      %while3A_312 = arith.constant 0 : i32
      scf.yield %while3A_312 : i32
    }
    %gt3A = arith.constant 0 : i32
    %gt3A_279 = arith.cmpi sgt, %shift_right_arithmetic3A_261, %gt3A : i32
    %convert_element_type3A = arith.extui %gt3A_279 : i1 to i32
    %cond3A = arith.constant 0 : i32
    %cond3A_280 = arith.cmpi ne, %convert_element_type3A, %cond3A : i32
    scf.if %cond3A_280 {
      %dma_start3A = arith.constant 0 : i32
      %dma_start3A_305 = arith.constant 0 : i32
      %dma_start3A_306 = arith.constant 0 : i32
      %dma_start3A_307 = tpu.memref_slice %arg12[%dma_start3A, %dma_start3A_305, %dma_start3A_306] : memref<2x128x64xf32, #tpu.memory_space<vmem>> -> memref<1x128x64xf32, #tpu.memory_space<vmem>>
      %dma_start3A_308 = tpu.memref_squeeze %dma_start3A_307 : memref<1x128x64xf32, #tpu.memory_space<vmem>> -> memref<128x64xf32, #tpu.memory_space<vmem>>
      %dma_start3A_309 = arith.constant 0 : i32
      %dma_start3A_310 = tpu.memref_slice %arg9[%dma_start3A_309] : memref<6544xi32, #tpu.memory_space<vmem>> -> memref<128xi32, #tpu.memory_space<vmem>>
      %dma_start3A_311 = arith.constant 0 : i32
      %dma_start3A_312 = arith.constant 0 : i32
      %dma_start3A_313 = tpu.memref_slice %arg4[%dma_start3A_311, %dma_start3A_312] : memref<1000000x64xf32, #tpu.memory_space<hbm>> -> memref<1000000x64xf32, #tpu.memory_space<hbm>>
      tpu.enqueue_indirect_dma source(%dma_start3A_313 : memref<1000000x64xf32, #tpu.memory_space<hbm>>) target(%dma_start3A_308 : memref<128x64xf32, #tpu.memory_space<vmem>>) offsets(%dma_start3A_310 : memref<128xi32, #tpu.memory_space<vmem>>) semaphore(%arg14 : memref<!tpu.dma_semaphore, #tpu.memory_space<semaphore_mem>>)
    } else {
    }
    %while3A_281 = arith.constant 0 : i32
    %while3A_282 = arith.constant 0 : i32
    %while3A_283 = arith.subi %shift_right_arithmetic3A_261, %while3A_281 : i32
    %while3A_284 = arith.addi %while3A_281, %while3A_283 : i32
    %while3A_285 = arith.constant 1 : i32
    %while3A_286 = arith.divsi %while3A_283, %while3A_285 : i32
    %while3A_287 = arith.muli %while3A_286, %while3A_285 : i32
    %while3A_288 = arith.addi %while3A_281, %while3A_287 : i32
    %while3A_289 = arith.constant 1 : i32
    %while3A_290 = scf.for %while3A_305 = %while3A_281 to %while3A_288 step %while3A_289 iter_args(%while3A_306 = %while3A_282) -> (i32)  : i32 {
      %and3A_307 = arith.constant 1 : i32
      %and3A_308 = arith.andi %while3A_305, %and3A_307 : i32
      %mul3A_309 = arith.constant 128 : i32
      %mul3A_310 = arith.muli %while3A_305, %mul3A_309 : i32
      %dma_wait3A = arith.constant 0 : i32
      %dma_wait3A_311 = arith.constant 0 : i32
      %dma_wait3A_312 = tpu.memref_slice %arg12[%and3A_308, %dma_wait3A, %dma_wait3A_311] : memref<2x128x64xf32, #tpu.memory_space<vmem>> -> memref<1x128x64xf32, #tpu.memory_space<vmem>>
      %dma_wait3A_313 = tpu.memref_squeeze %dma_wait3A_312 : memref<1x128x64xf32, #tpu.memory_space<vmem>> -> memref<128x64xf32, #tpu.memory_space<vmem>>
      %dma_wait3A_314 = tpu.memref_slice %arg9[%mul3A_310] : memref<6544xi32, #tpu.memory_space<vmem>> -> memref<128xi32, #tpu.memory_space<vmem>>
      %dma_wait3A_315 = arith.constant 0 : i32
      %dma_wait3A_316 = arith.constant 0 : i32
      %dma_wait3A_317 = tpu.memref_slice %arg4[%dma_wait3A_315, %dma_wait3A_316] : memref<1000000x64xf32, #tpu.memory_space<hbm>> -> memref<1000000x64xf32, #tpu.memory_space<hbm>>
      tpu.wait_indirect_dma semaphore(%arg14 : memref<!tpu.dma_semaphore, #tpu.memory_space<semaphore_mem>>) src(%dma_wait3A_317 : memref<1000000x64xf32, #tpu.memory_space<hbm>>) dst(%dma_wait3A_313 : memref<128x64xf32, #tpu.memory_space<vmem>>)
      %add3A_318 = arith.constant 1 : i32
      %add3A_319 = arith.addi %while3A_305, %add3A_318 : i32
      %lt3A = arith.cmpi slt, %add3A_319, %shift_right_arithmetic3A_261 : i32
      %convert_element_type3A_320 = arith.extui %lt3A : i1 to i32
      %cond3A_321 = arith.constant 0 : i32
      %cond3A_322 = arith.cmpi ne, %convert_element_type3A_320, %cond3A_321 : i32
      scf.if %cond3A_322 {
        %add3A_343 = arith.constant 1 : i32
        %add3A_344 = arith.addi %while3A_305, %add3A_343 : i32
        %add3A_345 = arith.constant 1 : i32
        %add3A_346 = arith.addi %while3A_305, %add3A_345 : i32
        %and3A_347 = arith.constant 1 : i32
        %and3A_348 = arith.andi %add3A_346, %and3A_347 : i32
        %mul3A_349 = arith.constant 128 : i32
        %mul3A_350 = arith.muli %add3A_344, %mul3A_349 : i32
        %dma_start3A_351 = arith.constant 0 : i32
        %dma_start3A_352 = arith.constant 0 : i32
        %dma_start3A_353 = tpu.memref_slice %arg12[%and3A_348, %dma_start3A_351, %dma_start3A_352] : memref<2x128x64xf32, #tpu.memory_space<vmem>> -> memref<1x128x64xf32, #tpu.memory_space<vmem>>
        %dma_start3A_354 = tpu.memref_squeeze %dma_start3A_353 : memref<1x128x64xf32, #tpu.memory_space<vmem>> -> memref<128x64xf32, #tpu.memory_space<vmem>>
        %dma_start3A_355 = tpu.memref_slice %arg9[%mul3A_350] : memref<6544xi32, #tpu.memory_space<vmem>> -> memref<128xi32, #tpu.memory_space<vmem>>
        %dma_start3A_356 = arith.constant 0 : i32
        %dma_start3A_357 = arith.constant 0 : i32
        %dma_start3A_358 = tpu.memref_slice %arg4[%dma_start3A_356, %dma_start3A_357] : memref<1000000x64xf32, #tpu.memory_space<hbm>> -> memref<1000000x64xf32, #tpu.memory_space<hbm>>
        tpu.enqueue_indirect_dma source(%dma_start3A_358 : memref<1000000x64xf32, #tpu.memory_space<hbm>>) target(%dma_start3A_354 : memref<128x64xf32, #tpu.memory_space<vmem>>) offsets(%dma_start3A_355 : memref<128xi32, #tpu.memory_space<vmem>>) semaphore(%arg14 : memref<!tpu.dma_semaphore, #tpu.memory_space<semaphore_mem>>)
      } else {
      }
      %dma_start3A = arith.constant 0 : i32
      %dma_start3A_323 = arith.constant 0 : i32
      %dma_start3A_324 = tpu.memref_slice %arg12[%and3A_308, %dma_start3A, %dma_start3A_323] : memref<2x128x64xf32, #tpu.memory_space<vmem>> -> memref<1x128x64xf32, #tpu.memory_space<vmem>>
      %dma_start3A_325 = tpu.memref_squeeze %dma_start3A_324 : memref<1x128x64xf32, #tpu.memory_space<vmem>> -> memref<128x64xf32, #tpu.memory_space<vmem>>
      %dma_start3A_326 = arith.constant 0 : i32
      %dma_start3A_327 = tpu.memref_slice %arg10[%while3A_305, %dma_start3A_326] : memref<52x128xi32, #tpu.memory_space<vmem>> -> memref<1x128xi32, #tpu.memory_space<vmem>>
      %dma_start3A_328 = tpu.memref_squeeze %dma_start3A_327 : memref<1x128xi32, #tpu.memory_space<vmem>> -> memref<128xi32, #tpu.memory_space<vmem>>
      %dma_start3A_329 = arith.constant 0 : i32
      %dma_start3A_330 = arith.constant 0 : i32
      %dma_start3A_331 = tpu.memref_slice %arg6[%dma_start3A_329, %dma_start3A_330] : memref<204800x64xf32, #tpu.memory_space<hbm>> -> memref<204800x64xf32, #tpu.memory_space<hbm>>
      tpu.enqueue_indirect_dma source(%dma_start3A_325 : memref<128x64xf32, #tpu.memory_space<vmem>>) target(%dma_start3A_331 : memref<204800x64xf32, #tpu.memory_space<hbm>>) offsets(%dma_start3A_328 : memref<128xi32, #tpu.memory_space<vmem>>) semaphore(%arg15 : memref<!tpu.dma_semaphore, #tpu.memory_space<semaphore_mem>>)
      %dma_wait3A_332 = arith.constant 0 : i32
      %dma_wait3A_333 = arith.constant 0 : i32
      %dma_wait3A_334 = tpu.memref_slice %arg12[%and3A_308, %dma_wait3A_332, %dma_wait3A_333] : memref<2x128x64xf32, #tpu.memory_space<vmem>> -> memref<1x128x64xf32, #tpu.memory_space<vmem>>
      %dma_wait3A_335 = tpu.memref_squeeze %dma_wait3A_334 : memref<1x128x64xf32, #tpu.memory_space<vmem>> -> memref<128x64xf32, #tpu.memory_space<vmem>>
      %dma_wait3A_336 = arith.constant 0 : i32
      %dma_wait3A_337 = tpu.memref_slice %arg10[%while3A_305, %dma_wait3A_336] : memref<52x128xi32, #tpu.memory_space<vmem>> -> memref<1x128xi32, #tpu.memory_space<vmem>>
      %dma_wait3A_338 = tpu.memref_squeeze %dma_wait3A_337 : memref<1x128xi32, #tpu.memory_space<vmem>> -> memref<128xi32, #tpu.memory_space<vmem>>
      %dma_wait3A_339 = arith.constant 0 : i32
      %dma_wait3A_340 = arith.constant 0 : i32
      %dma_wait3A_341 = tpu.memref_slice %arg6[%dma_wait3A_339, %dma_wait3A_340] : memref<204800x64xf32, #tpu.memory_space<hbm>> -> memref<204800x64xf32, #tpu.memory_space<hbm>>
      tpu.wait_indirect_dma semaphore(%arg15 : memref<!tpu.dma_semaphore, #tpu.memory_space<semaphore_mem>>) src(%dma_wait3A_335 : memref<128x64xf32, #tpu.memory_space<vmem>>) dst(%dma_wait3A_341 : memref<204800x64xf32, #tpu.memory_space<hbm>>)
      %while3A_342 = arith.constant 0 : i32
      scf.yield %while3A_342 : i32
    }
    %while3A_291 = arith.constant 1 : i32
    %while3A_292 = scf.for %while3A_305 = %while3A_288 to %while3A_284 step %while3A_291 iter_args(%while3A_306 = %while3A_290) -> (i32)  : i32 {
      %and3A_307 = arith.constant 1 : i32
      %and3A_308 = arith.andi %while3A_305, %and3A_307 : i32
      %mul3A_309 = arith.constant 128 : i32
      %mul3A_310 = arith.muli %while3A_305, %mul3A_309 : i32
      %dma_wait3A = arith.constant 0 : i32
      %dma_wait3A_311 = arith.constant 0 : i32
      %dma_wait3A_312 = tpu.memref_slice %arg12[%and3A_308, %dma_wait3A, %dma_wait3A_311] : memref<2x128x64xf32, #tpu.memory_space<vmem>> -> memref<1x128x64xf32, #tpu.memory_space<vmem>>
      %dma_wait3A_313 = tpu.memref_squeeze %dma_wait3A_312 : memref<1x128x64xf32, #tpu.memory_space<vmem>> -> memref<128x64xf32, #tpu.memory_space<vmem>>
      %dma_wait3A_314 = tpu.memref_slice %arg9[%mul3A_310] : memref<6544xi32, #tpu.memory_space<vmem>> -> memref<128xi32, #tpu.memory_space<vmem>>
      %dma_wait3A_315 = arith.constant 0 : i32
      %dma_wait3A_316 = arith.constant 0 : i32
      %dma_wait3A_317 = tpu.memref_slice %arg4[%dma_wait3A_315, %dma_wait3A_316] : memref<1000000x64xf32, #tpu.memory_space<hbm>> -> memref<1000000x64xf32, #tpu.memory_space<hbm>>
      tpu.wait_indirect_dma semaphore(%arg14 : memref<!tpu.dma_semaphore, #tpu.memory_space<semaphore_mem>>) src(%dma_wait3A_317 : memref<1000000x64xf32, #tpu.memory_space<hbm>>) dst(%dma_wait3A_313 : memref<128x64xf32, #tpu.memory_space<vmem>>)
      %add3A_318 = arith.constant 1 : i32
      %add3A_319 = arith.addi %while3A_305, %add3A_318 : i32
      %lt3A = arith.cmpi slt, %add3A_319, %shift_right_arithmetic3A_261 : i32
      %convert_element_type3A_320 = arith.extui %lt3A : i1 to i32
      %cond3A_321 = arith.constant 0 : i32
      %cond3A_322 = arith.cmpi ne, %convert_element_type3A_320, %cond3A_321 : i32
      scf.if %cond3A_322 {
        %add3A_343 = arith.constant 1 : i32
        %add3A_344 = arith.addi %while3A_305, %add3A_343 : i32
        %add3A_345 = arith.constant 1 : i32
        %add3A_346 = arith.addi %while3A_305, %add3A_345 : i32
        %and3A_347 = arith.constant 1 : i32
        %and3A_348 = arith.andi %add3A_346, %and3A_347 : i32
        %mul3A_349 = arith.constant 128 : i32
        %mul3A_350 = arith.muli %add3A_344, %mul3A_349 : i32
        %dma_start3A_351 = arith.constant 0 : i32
        %dma_start3A_352 = arith.constant 0 : i32
        %dma_start3A_353 = tpu.memref_slice %arg12[%and3A_348, %dma_start3A_351, %dma_start3A_352] : memref<2x128x64xf32, #tpu.memory_space<vmem>> -> memref<1x128x64xf32, #tpu.memory_space<vmem>>
        %dma_start3A_354 = tpu.memref_squeeze %dma_start3A_353 : memref<1x128x64xf32, #tpu.memory_space<vmem>> -> memref<128x64xf32, #tpu.memory_space<vmem>>
        %dma_start3A_355 = tpu.memref_slice %arg9[%mul3A_350] : memref<6544xi32, #tpu.memory_space<vmem>> -> memref<128xi32, #tpu.memory_space<vmem>>
        %dma_start3A_356 = arith.constant 0 : i32
        %dma_start3A_357 = arith.constant 0 : i32
        %dma_start3A_358 = tpu.memref_slice %arg4[%dma_start3A_356, %dma_start3A_357] : memref<1000000x64xf32, #tpu.memory_space<hbm>> -> memref<1000000x64xf32, #tpu.memory_space<hbm>>
        tpu.enqueue_indirect_dma source(%dma_start3A_358 : memref<1000000x64xf32, #tpu.memory_space<hbm>>) target(%dma_start3A_354 : memref<128x64xf32, #tpu.memory_space<vmem>>) offsets(%dma_start3A_355 : memref<128xi32, #tpu.memory_space<vmem>>) semaphore(%arg14 : memref<!tpu.dma_semaphore, #tpu.memory_space<semaphore_mem>>)
      } else {
      }
      %dma_start3A = arith.constant 0 : i32
      %dma_start3A_323 = arith.constant 0 : i32
      %dma_start3A_324 = tpu.memref_slice %arg12[%and3A_308, %dma_start3A, %dma_start3A_323] : memref<2x128x64xf32, #tpu.memory_space<vmem>> -> memref<1x128x64xf32, #tpu.memory_space<vmem>>
      %dma_start3A_325 = tpu.memref_squeeze %dma_start3A_324 : memref<1x128x64xf32, #tpu.memory_space<vmem>> -> memref<128x64xf32, #tpu.memory_space<vmem>>
      %dma_start3A_326 = arith.constant 0 : i32
      %dma_start3A_327 = tpu.memref_slice %arg10[%while3A_305, %dma_start3A_326] : memref<52x128xi32, #tpu.memory_space<vmem>> -> memref<1x128xi32, #tpu.memory_space<vmem>>
      %dma_start3A_328 = tpu.memref_squeeze %dma_start3A_327 : memref<1x128xi32, #tpu.memory_space<vmem>> -> memref<128xi32, #tpu.memory_space<vmem>>
      %dma_start3A_329 = arith.constant 0 : i32
      %dma_start3A_330 = arith.constant 0 : i32
      %dma_start3A_331 = tpu.memref_slice %arg6[%dma_start3A_329, %dma_start3A_330] : memref<204800x64xf32, #tpu.memory_space<hbm>> -> memref<204800x64xf32, #tpu.memory_space<hbm>>
      tpu.enqueue_indirect_dma source(%dma_start3A_325 : memref<128x64xf32, #tpu.memory_space<vmem>>) target(%dma_start3A_331 : memref<204800x64xf32, #tpu.memory_space<hbm>>) offsets(%dma_start3A_328 : memref<128xi32, #tpu.memory_space<vmem>>) semaphore(%arg15 : memref<!tpu.dma_semaphore, #tpu.memory_space<semaphore_mem>>)
      %dma_wait3A_332 = arith.constant 0 : i32
      %dma_wait3A_333 = arith.constant 0 : i32
      %dma_wait3A_334 = tpu.memref_slice %arg12[%and3A_308, %dma_wait3A_332, %dma_wait3A_333] : memref<2x128x64xf32, #tpu.memory_space<vmem>> -> memref<1x128x64xf32, #tpu.memory_space<vmem>>
      %dma_wait3A_335 = tpu.memref_squeeze %dma_wait3A_334 : memref<1x128x64xf32, #tpu.memory_space<vmem>> -> memref<128x64xf32, #tpu.memory_space<vmem>>
      %dma_wait3A_336 = arith.constant 0 : i32
      %dma_wait3A_337 = tpu.memref_slice %arg10[%while3A_305, %dma_wait3A_336] : memref<52x128xi32, #tpu.memory_space<vmem>> -> memref<1x128xi32, #tpu.memory_space<vmem>>
      %dma_wait3A_338 = tpu.memref_squeeze %dma_wait3A_337 : memref<1x128xi32, #tpu.memory_space<vmem>> -> memref<128xi32, #tpu.memory_space<vmem>>
      %dma_wait3A_339 = arith.constant 0 : i32
      %dma_wait3A_340 = arith.constant 0 : i32
      %dma_wait3A_341 = tpu.memref_slice %arg6[%dma_wait3A_339, %dma_wait3A_340] : memref<204800x64xf32, #tpu.memory_space<hbm>> -> memref<204800x64xf32, #tpu.memory_space<hbm>>
      tpu.wait_indirect_dma semaphore(%arg15 : memref<!tpu.dma_semaphore, #tpu.memory_space<semaphore_mem>>) src(%dma_wait3A_335 : memref<128x64xf32, #tpu.memory_space<vmem>>) dst(%dma_wait3A_341 : memref<204800x64xf32, #tpu.memory_space<hbm>>)
      %while3A_342 = arith.constant 0 : i32
      scf.yield %while3A_342 : i32
    }
    %while3A_293 = arith.constant 0 : i32
    %while3A_294 = arith.constant 0 : i32
    %while3A_295 = arith.subi %shift_right_arithmetic3A_267, %while3A_293 : i32
    %while3A_296 = arith.addi %while3A_293, %while3A_295 : i32
    %while3A_297 = arith.constant 1 : i32
    %while3A_298 = arith.divsi %while3A_295, %while3A_297 : i32
    %while3A_299 = arith.muli %while3A_298, %while3A_297 : i32
    %while3A_300 = arith.addi %while3A_293, %while3A_299 : i32
    %while3A_301 = arith.constant 1 : i32
    %while3A_302 = scf.for %while3A_305 = %while3A_293 to %while3A_300 step %while3A_301 iter_args(%while3A_306 = %while3A_294) -> (i32)  : i32 {
      %dma_wait3A = arith.constant 0 : i32
      %dma_wait3A_307 = arith.constant 0 : i32
      %dma_wait3A_308 = tpu.memref_slice %arg11[%dma_wait3A, %dma_wait3A_307] : memref<52x128xi32, #tpu.memory_space<vmem>> -> memref<1x128xi32, #tpu.memory_space<vmem>>
      %dma_wait3A_309 = tpu.memref_squeeze %dma_wait3A_308 : memref<1x128xi32, #tpu.memory_space<vmem>> -> memref<128xi32, #tpu.memory_space<vmem>>
      %dma_wait3A_310 = arith.constant 0 : i32
      %dma_wait3A_311 = arith.constant 0 : i32
      %dma_wait3A_312 = tpu.memref_slice %arg6[%dma_wait3A_310, %dma_wait3A_311] : memref<204800x64xf32, #tpu.memory_space<hbm>> -> memref<204800x64xf32, #tpu.memory_space<hbm>>
      tpu.wait_indirect_dma semaphore(%arg16 : memref<!tpu.dma_semaphore, #tpu.memory_space<semaphore_mem>>) src(%arg13 : memref<128x64xf32, #tpu.memory_space<vmem>>) dst(%dma_wait3A_312 : memref<204800x64xf32, #tpu.memory_space<hbm>>)
      %while3A_313 = arith.constant 0 : i32
      scf.yield %while3A_313 : i32
    }
    %while3A_303 = arith.constant 1 : i32
    %while3A_304 = scf.for %while3A_305 = %while3A_300 to %while3A_296 step %while3A_303 iter_args(%while3A_306 = %while3A_302) -> (i32)  : i32 {
      %dma_wait3A = arith.constant 0 : i32
      %dma_wait3A_307 = arith.constant 0 : i32
      %dma_wait3A_308 = tpu.memref_slice %arg11[%dma_wait3A, %dma_wait3A_307] : memref<52x128xi32, #tpu.memory_space<vmem>> -> memref<1x128xi32, #tpu.memory_space<vmem>>
      %dma_wait3A_309 = tpu.memref_squeeze %dma_wait3A_308 : memref<1x128xi32, #tpu.memory_space<vmem>> -> memref<128xi32, #tpu.memory_space<vmem>>
      %dma_wait3A_310 = arith.constant 0 : i32
      %dma_wait3A_311 = arith.constant 0 : i32
      %dma_wait3A_312 = tpu.memref_slice %arg6[%dma_wait3A_310, %dma_wait3A_311] : memref<204800x64xf32, #tpu.memory_space<hbm>> -> memref<204800x64xf32, #tpu.memory_space<hbm>>
      tpu.wait_indirect_dma semaphore(%arg16 : memref<!tpu.dma_semaphore, #tpu.memory_space<semaphore_mem>>) src(%arg13 : memref<128x64xf32, #tpu.memory_space<vmem>>) dst(%dma_wait3A_312 : memref<204800x64xf32, #tpu.memory_space<hbm>>)
      %while3A_313 = arith.constant 0 : i32
      scf.yield %while3A_313 : i32
    }
    return
  }
}

</mosaic_0001>

<sc_bundles>
// kernel: kernel.3.cloned.1.call-start
scs
__scs_entry_jumppad:
0x0: {  	(pc) =	sbr.rel $0x88, $3  }
0x1: {  	(tag) =	ssettag $0x0;
	lr =	simm.s32 $0x1  }
0x2: {  	[smem:$0x3F9E] =	sst lr;
	_ =	strace $0xD0000000  }
0x3: {  	_ = 	snop  }
0x4: {  	_ = 	snop  }
0x5: {  	_ = 	snop  }
0x6: {  	_ = 	snop  }
0x7: {  	_ = 	snop  }
__scs_overlays_trampoline_lowered:
0x8: {  	[smem:$0x3FAD] =	sst s0  }
0x9: {  	[smem:$0x3FAE] =	sst s1  }
0xa: {  	[smem:$0x3FAF] =	sst s2  }
0xb: {  	[smem:$0x3FB0] =	sst s3  }
0xc: {  	[smem:$0x3FB1] =	sst s4  }
0xd: {  	[smem:$0x3FB2] =	sst s5  }
0xe: {  	[smem:$0x3FB3] =	sst s6  }
0xf: {  	[smem:$0x3FB4] =	sst s7  }
0x10: {  	[smem:$0x3FB5] =	sst s8  }
0x11: {  	[smem:$0x3FB6] =	sst s9;
	s0 =	simm.s32 @!p0 $0x0  }
0x12: {  	s1 =	sld [smem:$0x3F9C];
	s0 =	simm.s32 @p0 $0x1  }
0x13: {  	[smem:$0x3FB7] =	sst s0;
	s0 =	simm.s32 @!p1 $0x0  }
0x14: {  	s2 =	sld [smem:$0x3F9B];
	s0 =	simm.s32 @p1 $0x1  }
0x15: {  	[smem:$0x3FB8] =	sst s0;
	s0 =	simm.s32 @!p2 $0x0  }
0x16: {  	s3 =	sld [smem:$0x3FDB];
	s0 =	simm.s32 @p2 $0x1  }
0x17: {  	s4 =	simm.s32 $0x1BF5;
	[smem:$0x3FBA] =	sst s0  }
0x18: {  	s0 =	sld [smem:$0x3F9D];
	_ =	swait.ge [sflag:s4], $0x0  }
0x19: {  	s7 =	sld [smem:$0x3F9E]  }
0x1a: {  	s8 =	sadd.s32 $0xFFFFE003, lr  }
0x1b: {  	s9 =	sadd.s32 $0xFFFFFEF7, lr;
	s5 =	simm.s32 $0xFFFFFFFF;
	p2 =	slt.u32 s8, $0xFFFFF086  }
0x1c: {  	p1 =	slt.u32 s9, $0xF7A;
	s5 =	simm.s32 @!p2 $0x0  }
0x1d: {  	s5 =	simm.s32 @p1 $0x1;
	p0 =	seq.s32 s7, s2  }
0x1e: {  	s7 =	smul.u32 @!p0 $0xF7A, s2;
	p2 =	seq.s32 @!p0 s5, $0x0  }
0x1f: {  	s9 =	smul.u32 $0xF7A, s1;
	s8 =	simm.s32 @!p0 $0x1BF5;
	p2 =	por !p2, p0  }
0x20: {  	[sflag:s8] =	ssyncset.s32 @!p0 $0xFFFFF086;
	s6 =	sadd.s32 @!p0 s3, s7;
	s7 =	simm.s32 @!p0 $0x108  }
0x21: {  	s3 =	sadd.s32 s3, s9;
	s6 =	sadd.s32 @!p0 $0x88, s6;
	s7 =	simm.s32 @p2 $0x1082  }
0x22: {  	[simem:s7], [sflag:s8] =	dma.local @!p0 [hbm:s6], $0xF7A  }
0x23: {  	s9 =	sor.u32 $0xD0000000, s2;
	s6 =	simm.s32 $0x108;
	_ =	swait.ge @!p0 [sflag:s8], $0x0  }
0x24: {  	s3 =	sadd.s32 $0x88, s3;
	s6 =	simm.s32 @!p1 $0x1082;
	[sflag:s4] =	ssyncset.s32 $0xFFFFF086  }
0x25: {  	[simem:s6], [sflag:s4] =	dma.local [hbm:s3], $0xF7A  }
0x26: {  	[smem:$0x3F9E] =	sst s1;
	(tag) =	ssettag s2;
	_ =	strace s9  }
0x27: {  	s1 =	sld [smem:$0x3FAE]  }
0x28: {  	s2 =	sld [smem:$0x3FAF]  }
0x29: {  	s4 =	sld [smem:$0x3FB1]  }
0x2a: {  	p0 =	seq.s32 s5, $0x0;
	s5 =	sld [smem:$0x3FB2]  }
0x2b: {  	s6 =	sld [smem:$0x3FB3]  }
0x2c: {  	s7 =	sld [smem:$0x3FB4]  }
0x2d: {  	s3 =	simm.s32 $0x108;
	s8 =	sld [smem:$0x3FB5]  }
0x2e: {  	s3 =	simm.s32 @!p0 $0x1082;
	s9 =	sld [smem:$0x3FB6]  }
0x2f: {  	lr =	sadd.s32 s0, s3;
	s0 =	sld [smem:$0x3FAD]  }
0x30: {  	s3 =	sld [smem:$0x3FB0]  }
0x31: {  	[smem:$0x3FB9] =	sst s10  }
0x32: {  	s10 =	sld [smem:$0x3FB7];
	_ =	sdelay $0x3  }
0x33: {  	p0 =	seq.s32 s10, $0x1;
	s10 =	sld [smem:$0x3FB9];
	_ =	sdelay $0x3  }
0x34: {  	[smem:$0x3FB9] =	sst s10  }
0x35: {  	s10 =	sld [smem:$0x3FB8];
	_ =	sdelay $0x3  }
0x36: {  	p1 =	seq.s32 s10, $0x1;
	s10 =	sld [smem:$0x3FB9];
	_ =	sdelay $0x3  }
0x37: {  	[smem:$0x3FB9] =	sst s10  }
0x38: {  	s10 =	sld [smem:$0x3FBA]  }
0x39: {  	_ = 	snop;
	(pc) =	sbr.ind lr, $3  }
0x3a: {  	_ = 	snop  }
0x3b: {  	_ = 	snop  }
0x3c: {  	p2 =	seq.s32 s10, $0x1;
	s10 =	sld [smem:$0x3FB9]  }
0x3d: {  	_ =	shalt  }
0x3e: {  	_ =	shalt  }
0x3f: {  	_ =	shalt  }
0x40: {  	_ =	shalt  }
0x41: {  	_ =	shalt  }
0x42: {  	_ =	shalt  }
0x43: {  	_ =	shalt  }
0x44: {  	_ =	shalt  }
0x45: {  	_ =	shalt  }
0x46: {  	_ =	shalt  }
0x47: {  	_ =	shalt  }
0x48: {  	_ =	shalt  }
0x49: {  	_ =	shalt  }
0x4a: {  	_ =	shalt  }
0x4b: {  	_ =	shalt  }
0x4c: {  	_ =	shalt  }
0x4d: {  	_ =	shalt  }
0x4e: {  	_ =	shalt  }
0x4f: {  	_ =	shalt  }
0x50: {  	_ =	shalt  }
0x51: {  	_ =	shalt  }
0x52: {  	_ =	shalt  }
0x53: {  	_ =	shalt  }
0x54: {  	_ =	shalt  }
0x55: {  	_ =	shalt  }
0x56: {  	_ =	shalt  }
0x57: {  	_ =	shalt  }
0x58: {  	_ =	shalt  }
0x59: {  	_ =	shalt  }
0x5a: {  	_ =	shalt  }
0x5b: {  	_ =	shalt  }
0x5c: {  	_ =	shalt  }
0x5d: {  	_ =	shalt  }
0x5e: {  	_ =	shalt  }
0x5f: {  	_ =	shalt  }
0x60: {  	_ =	shalt  }
0x61: {  	_ =	shalt  }
0x62: {  	_ =	shalt  }
0x63: {  	_ =	shalt  }
0x64: {  	_ =	shalt  }
0x65: {  	_ =	shalt  }
0x66: {  	_ =	shalt  }
0x67: {  	_ =	shalt  }
0x68: {  	_ =	shalt  }
0x69: {  	_ =	shalt  }
0x6a: {  	_ =	shalt  }
0x6b: {  	_ =	shalt  }
0x6c: {  	_ =	shalt  }
0x6d: {  	_ =	shalt  }
0x6e: {  	_ =	shalt  }
0x6f: {  	_ =	shalt  }
0x70: {  	_ =	shalt  }
0x71: {  	_ =	shalt  }
0x72: {  	_ =	shalt  }
0x73: {  	_ =	shalt  }
0x74: {  	_ =	shalt  }
0x75: {  	_ =	shalt  }
0x76: {  	_ =	shalt  }
0x77: {  	_ =	shalt  }
0x78: {  	_ =	shalt  }
0x79: {  	_ =	shalt  }
0x7a: {  	_ =	shalt  }
0x7b: {  	_ =	shalt  }
0x7c: {  	_ =	shalt  }
0x7d: {  	_ =	shalt  }
0x7e: {  	_ =	shalt  }
0x7f: {  	_ =	shalt  }
0x80: {  	_ =	shalt  }
0x81: {  	_ =	shalt  }
0x82: {  	_ =	shalt  }
0x83: {  	_ =	shalt  }
0x84: {  	_ =	shalt  }
0x85: {  	_ =	shalt  }
0x86: {  	_ =	shalt  }
0x87: {  	_ =	shalt  }
.Lfunc_end0:
.L_simem_size_0:
called_computation.1_lowered:
.L_overlay_start_0:
0x88: {  	s2 =	sld [smem:$0x3FD9]  }
0x89: {  	s3 =	sld [smem:$0x3FFE];
	_ =	sdelay $0x1  }
0x8a: {  	s1 =	srdreg.scid  }
0x8b: {  	s0 =	sand.u32 $0x1, s1  }
0x8c: {  	s17 =	sshll.u32 s0, $0xA;
	s2 =	sadd.s32 s3, s2  }
0x8d: {  	s2 =	sadd.s32 s2, s17  }
0x8e: {  	[smem:$0x3FC5] =	sst s2  }
0x8f: {  	_ = 	snop  }
0x90: {  	s2 =	sld [smem:$0x3FC8]  }
0x91: {  	s18 =	sld [smem:$0x3FD0];
	(tm) =	ssettm $0x1  }
0x92: {  	s4 =	sld [smem:$0x3FFB];
	_ =	sdelay $0x3  }
0x93: {  	_ =	strace s4  }
0x94: {  	s4 =	sld [smem:$0x3FFC];
	_ =	sdelay $0x3  }
0x95: {  	_ =	strace s4  }
0x96: {  	s4 =	sld [smem:$0x3FFD];
	_ =	sdelay $0x3  }
0x97: {  	_ =	strace s4  }
0x98: {  	_ =	strace $0x8FFFFFFF  }
0x99: {  	s19 =	sld [smem:$0x3FDB];
	_ =	sdelay $0x1  }
0x9a: {  	s5 =	simm.s32 $_scs_section_size  }
0x9b: {  	s6 =	simm.s32 $_size__tile_overlayer_lowered;
	s7 =	simm.s32 $_tile_overlayer_lowered  }
0x9c: {  	s22 =	simm.s32 $0x1BFF;
	s21 =	sshll.u32 s7, $0x1;
	s4 =	sadd.s32 s5, s19  }
0x9d: {  	s8 =	simm.s32 $0x0;
	s20 =	sshll.u32 s6, $0x1;
	s6 =	sadd.s32 s21, s4  }
0x9e: {  	[timem:s8], [sflag:s22] =	dma.local [hbm:s6], s20  }
0x9f: {  	_ =	swait.ge [sflag:s22], s20  }
0xa0: {  	s5 =	ssub.s32 $0x0, s20;
	[sflag:s22] =	ssyncset.done $0x0  }
0xa1: {  	[sflag:s22] =	ssyncadd.s32 s5;
	_ =	sdelay $0x1  }
0xa2: {  	s23 =	simm.s32 $0x1B8B  }
0xa3: {  	_ =	swait.ge [sflag:s23], $0x1  }
0xa4: {  	[sflag:s23] =	ssyncset.done $0x0  }
0xa5: {  	s25 =	simm.s32 $0x1B8E;
	s24 =	sld [smem:$0x3FFE];
	[sflag:s23] =	ssyncadd.s32 $0xFFFFFFFF  }
0xa6: {  	s26 =	simm.s32 $execute0_lowered;
	[smem:$0x3FD2] =	sst s25  }
0xa7: {  	s6 =	sshll.u32 s26, $0x1;
	_ =	strace $0x80000046;
	[dreg:$0x1] =	wrdreg $0xFFFFFFFF  }
0xa8: {  	s28 =	simm.s32 $_size_execute0_lowered;
	s4 =	sadd.s32 s4, s6;
	[dreg:$0x0] =	wrdreg $0x0  }
0xa9: {  	s6 =	sshll.u32 s28, $0x1;
	[dreg:$0x2] =	wrdreg s4  }
0xaa: {  	[dreg:$0x3] =	wrdreg s6  }
0xab: {  	[dreg:$0x4] =	wrdreg $0xC0  }
0xac: {  	_ =	task [dreg:s8], $0x5FFFF  }
0xad: {  	[dreg:$0x1] =	wrdreg $0xFFFFFFFF  }
0xae: {  	[dreg:$0x0] =	wrdreg $0x60  }
0xaf: {  	[dreg:$0x2] =	wrdreg s24  }
0xb0: {  	[dreg:$0x3] =	wrdreg s2  }
0xb1: {  	[dreg:$0x4] =	wrdreg s18  }
0xb2: {  	[dreg:$0x5] =	wrdreg $0x9  }
0xb3: {  	_ =	task.clear_ibuf [dreg:s8], $0x6FFFF;
	_ =	strace $0x90000046  }
0xb4: {  	s29 =	simm.s32 $0x9;
	_ =	strace $0x80000048  }
0xb5: {  	_ =	swait.ge [sflag:s29], $0x1  }
0xb6: {  	[sflag:s29] =	ssyncadd.s32 $0xFFFFFFFF  }
0xb7: {  	_ =	strace $0x90000048  }
0xb8: {  	_ =	sfence  }
0xb9: {  	s30 =	sld [smem:$0x0];
	_ =	sdelay $0x2  }
0xba: {  	s31 =	sshll.u32 s1, $0xD;
	s1 =	sshrl.u32 s1, $0x2  }
0xbb: {  	s3 =	sand.u32 $0x4000, s31;
	s1 =	sadd.s32 s1, s30  }
0xbc: {  	s0 =	sor.u32 s3, s0;
	s1 =	sshll.u32 s1, $0x11  }
0xbd: {  	s0 =	sor.u32 s1, s0  }
0xbe: {  	s0 =	sadd.s32 $0x8F2B, s0  }
0xbf: {  	[sflag:s0] =	ssyncadd.remote.s32 $0x1  }
0xc0: {  	_ =	sfence.sel $0xFFFF  }
0xc1: {  	[dreg:$0x0] =	wrdreg $0xFFFFFFFF;
	(pc) =	sbr.abs _section_cstart, $3  }
0xc2: {  	[dreg:$0x1] =	wrdreg $0xFFFFFFFF  }
0xc3: {  	_ =	task.clear_ibuf [dreg:s8], $0x2FFFF;
	_ =	strace $0x9FFFFFFF  }
0xc4: {  	(tm) =	ssettm $0x7FFFFFFF  }
0xc5: {  	_ =	shalt  }
tec
execute0_lowered:
.L_overlay_start_1:
0x0: {  	(tag) =	ssettag $0x1  }
0x1: {  	s1 =	rddreg [dreg:$0x0]  }
0x2: {  	s2 =	rddreg [dreg:$0x1];
	s4 =	srdreg.scid  }
0x3: {  	s0 =	stileid.u32;
	s3 =	rddreg [dreg:$0x2]  }
0x4: {  	s12 =	simm.s32 $0x2900;
	s13 =	simm.s32 $0x4290;
	s14 =	simm.s32 $0x5C90  }
0x5: {  	s15 =	simm.s32 $0x80;
	s16 =	simm.s32 $0x7690;
	s17 =	simm.s32 $0x1  }
0x6: {  	s18 =	simm.s32 $0x2;
	s19 =	simm.s32 $0x3;
	s20 =	simm.s32 $0x0  }
0x7: {  	s5 =	sand.u32 $0x1, s4;
	s6 =	sshll.u32 s0, $0x1;
	s7 =	smul.u32 $0x3200, s0  }
0x8: {  	s4 =	simm.s32 $0x0;
	s6 =	sor.u32 s5, s6;
	s9 =	smul.u32 $0x1900, s5  }
0x9: {  	[smem:$0x7FF] =	sst s4;
	s8 =	ssub.s32 $0x2, s5;
	s6 =	smul.u32 $0x1900, s6  }
.Ltmp0:
0xa: {  	s5 =	sadd.s32 $0xF42E00, s1;
	s11 =	sshrl.u32 s8, $0x1;
	(pc) =	sbr.rel .LBB2_1-.Ltmp0, $4  }
0xb: {  	_ =	strace $0x80000047;
	s31 =	ssub.s32 s8, s11;
	s9 =	sadd.s32 s9, s7  }
0xc: {  	s11 =	simm.s32 $0xB690;
	s6 =	sshrl.u32 s6, $0x3;
	s8 =	smax.u32 s31, $0x1  }
0xd: {  	[dreg:$0x4] =	wrdreg s9;
	s9 =	simm.s32 $0x4;
	s10 =	sadd.s32 s6, s1  }
0xe: {  	v0 =	vlaneseq.u32;
	v1 =	vimm.s32 $0x0;
	s6 =	sadd.s32 $0x6E00, s1;
	s7 =	sadd.s32 $0xA00, s10;
	s10 =	simm.s32 $0x1900  }
.LBB2_13:
0xf: {  	[sflag:s19] =	ssyncadd.s32 $0xFFFFE000  }
.LBB2_14:
0x10: {  	s20 =	sadd.s32 $0x1, s20  }
0x11: {  	p0 =	sne.s32 s20, s8  }
.Ltmp1:
0x12: {  	_ = 	snop;
	(pc) =	sbr.rel @!p0 .LBB2_15-.Ltmp1, $1  }
0x13: {  	_ =	sdelay $0x3  }
.LBB2_1:
0x14: {  	[tilespmem:s4], [sflag:$0x4] =	stream.linear.gather [hbm4b:s7+s4], $0x1900, $0x38;
	[tilespmem:$0xD690] =	vst v63  }
0x15: {  	_ =	swait.ge [sflag:s9], $0x1900  }
0x16: {  	[sflag:s9] =	ssyncset.done $0x0  }
0x17: {  	[sflag:s9] =	ssyncadd.s32 $0xFFFFE700  }
0x18: {  	[tilespmem:s10], [sflag:$0x4] =	stream.linear.gather [hbm4b:s2+s4], $0x1000, $0x38;
	[tilespmem:$0xD690] =	vst v63  }
0x19: {  	_ =	swait.ge [sflag:s9], $0x1000  }
0x1a: {  	[sflag:s9] =	ssyncset.done $0x0  }
0x1b: {  	[sflag:s9] =	ssyncadd.s32 $0xFFFFF000  }
0x1c: {  	[tilespmem:s11], [sflag:$0x4] =	stream.linear.gather [hbm4b:s6+s4], $0x2000, $0x38;
	[tilespmem:$0xD690] =	vst v63  }
0x1d: {  	_ =	swait.ge [sflag:s9], $0x2000  }
0x1e: {  	s1 =	rddreg [dreg:$0x4]  }
0x1f: {  	s22 =	sadd.s32 $0x0, s1  }
0x20: {  	v2 =	vor.u32 s22, v0  }
0x21: {  	v3 =	vcvt.s32.f32 v2;
	_ =	sdelay $0x1  }
0x22: {  	v3 =	vmul.f32 $1.999999960e-02, v3;
	_ =	sdelay $0x1  }
0x23: {  	v3 =	vtrunc.f32 v3  }
0x24: {  	v3 =	vcvt.f32.s32 v3;
	_ =	sdelay $0x1  }
0x25: {  	v4 =	vadd.s32 $0x1, v3  }
0x26: {  	v5 =	vmul.u32 $0x32, v4;
	_ =	sdelay $0x1  }
0x27: {  	vm0 =	vgt.s32 v5, v2  }
0x28: {  	v3 =	vsel vm0, v3, v4  }
0x29: {  	v4 =	vmul.u32 $0x32, v3;
	_ =	sdelay $0x1  }
0x2a: {  	vm0 =	vgt.s32 v4, v2  }
0x2b: {  	v4 =	vsel vm0, $0xFFFFFFFF, v1  }
0x2c: {  	v3 =	vadd.s32 v4, v3;
	_ =	sdelay $0x2  }
0x2d: {  	[sflag:s9] =	ssyncset.done $0x0  }
0x2e: {  	[sflag:s9] =	ssyncadd.s32 $0xFFFFE000;
	s1 =	sadd.s32 $0x10, s22  }
0x2f: {  	v5 =	vor.u32 s1, v0;
	v4 =	vld.idx.msk [tilespmem:v3+s10+$0x0], $0xffff  }
0x30: {  	v6 =	vcvt.s32.f32 v5  }
0x31: {  	v3 =	vmul.u32 $0xFFFFFFCE, v3  }
0x32: {  	v6 =	vmul.f32 $1.999999960e-02, v6  }
0x33: {  	v3 =	vadd.s32 v2, v3  }
0x34: {  	v6 =	vtrunc.f32 v6;
	vm0 =	vlt.s32 v3, v4  }
0x35: {  	v6 =	vcvt.f32.s32 v6;
	v7 =	vsel vm0, $0x1, v1  }
0x36: {  	(xrf0) =	vadd.scan.msk.s32 $0xffff, v7  }
0x37: {  	v7 =	vadd.s32 $0x1, v6  }
0x38: {  	v8 =	vmul.u32 $0x32, v7  }
0x39: {  	v9 =	vmov s4  }
0x3a: {  	v9 =	vadd.s32 $0xFFFFFFFF, v9;
	vm1 =	vgt.s32 v8, v5  }
0x3b: {  	v27 =	vbroadcast v9, $0x0;
	v6 =	vsel vm1, v6, v7  }
0x3c: {  	s21 =	simm.s32 $0x40;
	v7 =	vmul.u32 $0x32, v6;
	v28, _, _ =	vpop (xrf0)  }
0x3d: {  	vm1 =	vge.s32 v3, v4;
	v3 =	vld [tilespmem:s21+$0xFFFFFFC0];
	v4 =	vadd.s32 v28, v27  }
0x3e: {  	v29 =	vsub.s32 s4, v28;
	(v2sf) =	vpush v28, $0xF;
	vm2 =	vgt.s32 v7, v5  }
0x3f: {  	v7 =	vadd.s32 v0, v29;
	v30 =	vsel vm2, $0xFFFFFFFF, v1  }
0x40: {  	v6 =	vadd.s32 v30, v6;
	_ =	sdelay $0x1  }
0x41: {  	[tilespmem:v4+s12+$0x0] =	vst.idx.msk vm0, v3  }
0x42: {  	[tilespmem:v4+s13+$0x0] =	vst.idx.msk vm0, v2  }
0x43: {  	s24 =	sadd.s32 $0x20, s22;
	[tilespmem:v7+s14+$0x0] =	vst.idx.msk vm1, v2  }
0x44: {  	v3 =	vor.u32 s24, v0;
	v2 =	vld.idx.msk [tilespmem:v6+s10+$0x0], $0xffff  }
0x45: {  	v4 =	vcvt.s32.f32 v3  }
0x46: {  	v6 =	vmul.u32 $0xFFFFFFCE, v6  }
0x47: {  	v4 =	vmul.f32 $1.999999960e-02, v4  }
0x48: {  	v6 =	vadd.s32 v5, v6  }
0x49: {  	v4 =	vtrunc.f32 v4;
	vm0 =	vlt.s32 v6, v2  }
0x4a: {  	v4 =	vcvt.f32.s32 v4;
	v7 =	vsel vm0, $0x1, v1  }
0x4b: {  	(xrf0) =	vadd.scan.msk.s32 $0xffff, v7  }
0x4c: {  	s25 =	spop (v2sf);
	v7 =	vadd.s32 $0x1, v4  }
0x4d: {  	s23 =	sadd.s32 $0x0, s25;
	v31 =	vmul.u32 $0x32, v7  }
0x4e: {  	v32 =	vmov s23  }
0x4f: {  	v9 =	vadd.s32 $0xFFFFFFFF, v32;
	vm1 =	vgt.s32 v31, v3  }
0x50: {  	v33 =	vbroadcast v9, $0x0;
	v4 =	vsel vm1, v4, v7  }
0x51: {  	s1 =	ssub.s32 $0x0, s25;
	v7 =	vmul.u32 $0x32, v4;
	v34, _, _ =	vpop (xrf0)  }
0x52: {  	v10 =	vld [tilespmem:s21+$0xFFFFFFD0];
	s24 =	sadd.s32 $0x10, s1;
	vm1 =	vge.s32 v6, v2;
	v8 =	vadd.s32 v34, v33  }
0x53: {  	v11 =	vsub.s32 s24, v34;
	(v2sf) =	vpush v34, $0xF;
	vm2 =	vgt.s32 v7, v3  }
0x54: {  	v2 =	vadd.s32 v0, v11;
	v6 =	vsel vm2, $0xFFFFFFFF, v1  }
0x55: {  	v4 =	vadd.s32 v6, v4;
	_ =	sdelay $0x1  }
0x56: {  	[tilespmem:v8+s12+$0x0] =	vst.idx.msk vm0, v10  }
0x57: {  	[tilespmem:v8+s13+$0x0] =	vst.idx.msk vm0, v5  }
0x58: {  	s26 =	sadd.s32 $0x30, s22;
	[tilespmem:v2+s14+$0x0] =	vst.idx.msk vm1, v5  }
0x59: {  	v5 =	vor.u32 s26, v0;
	v2 =	vld.idx.msk [tilespmem:v4+s10+$0x0], $0xffff  }
0x5a: {  	v6 =	vcvt.s32.f32 v5  }
0x5b: {  	v4 =	vmul.u32 $0xFFFFFFCE, v4  }
0x5c: {  	v6 =	vmul.f32 $1.999999960e-02, v6  }
0x5d: {  	v4 =	vadd.s32 v3, v4  }
0x5e: {  	v6 =	vtrunc.f32 v6;
	vm0 =	vlt.s32 v4, v2  }
0x5f: {  	v6 =	vcvt.f32.s32 v6;
	v7 =	vsel vm0, $0x1, v1  }
0x60: {  	(xrf0) =	vadd.scan.msk.s32 $0xffff, v7  }
0x61: {  	s0 =	spop (v2sf);
	v7 =	vadd.s32 $0x1, v6  }
0x62: {  	s23 =	sadd.s32 s23, s0;
	v35 =	vmul.u32 $0x32, v7  }
0x63: {  	v36 =	vmov s23  }
0x64: {  	v9 =	vadd.s32 $0xFFFFFFFF, v36;
	vm1 =	vgt.s32 v35, v5  }
0x65: {  	v37 =	vbroadcast v9, $0x0;
	v6 =	vsel vm1, v6, v7  }
0x66: {  	s1 =	ssub.s32 s1, s0;
	v7 =	vmul.u32 $0x32, v6;
	v38, _, _ =	vpop (xrf0)  }
0x67: {  	v10 =	vld [tilespmem:s21+$0xFFFFFFE0];
	s24 =	sadd.s32 $0x20, s1;
	vm1 =	vge.s32 v4, v2;
	v8 =	vadd.s32 v38, v37  }
0x68: {  	v39 =	vsub.s32 s24, v38;
	(v2sf) =	vpush v38, $0xF;
	vm2 =	vgt.s32 v7, v5  }
0x69: {  	v2 =	vadd.s32 v0, v39;
	v4 =	vsel vm2, $0xFFFFFFFF, v1  }
0x6a: {  	v4 =	vadd.s32 v4, v6;
	_ =	sdelay $0x1  }
0x6b: {  	[tilespmem:v8+s12+$0x0] =	vst.idx.msk vm0, v10  }
0x6c: {  	[tilespmem:v8+s13+$0x0] =	vst.idx.msk vm0, v3  }
0x6d: {  	s25 =	sadd.s32 $0x40, s22;
	[tilespmem:v2+s14+$0x0] =	vst.idx.msk vm1, v3  }
0x6e: {  	v3 =	vor.u32 s25, v0;
	v2 =	vld.idx.msk [tilespmem:v4+s10+$0x0], $0xffff  }
0x6f: {  	v6 =	vcvt.s32.f32 v3  }
0x70: {  	v4 =	vmul.u32 $0xFFFFFFCE, v4  }
0x71: {  	v6 =	vmul.f32 $1.999999960e-02, v6  }
0x72: {  	v4 =	vadd.s32 v5, v4  }
0x73: {  	v6 =	vtrunc.f32 v6;
	vm0 =	vlt.s32 v4, v2  }
0x74: {  	v6 =	vcvt.f32.s32 v6;
	v7 =	vsel vm0, $0x1, v1  }
0x75: {  	(xrf0) =	vadd.scan.msk.s32 $0xffff, v7  }
0x76: {  	s26 =	spop (v2sf);
	v7 =	vadd.s32 $0x1, v6  }
0x77: {  	s23 =	sadd.s32 s23, s26;
	v40 =	vmul.u32 $0x32, v7  }
0x78: {  	v41 =	vmov s23  }
0x79: {  	v9 =	vadd.s32 $0xFFFFFFFF, v41;
	vm1 =	vgt.s32 v40, v3  }
0x7a: {  	v42 =	vbroadcast v9, $0x0;
	v6 =	vsel vm1, v6, v7  }
0x7b: {  	s1 =	ssub.s32 s1, s26;
	v7 =	vmul.u32 $0x32, v6;
	v43, _, _ =	vpop (xrf0)  }
0x7c: {  	v10 =	vld [tilespmem:s21+$0xFFFFFFF0];
	s24 =	sadd.s32 $0x30, s1;
	vm1 =	vge.s32 v4, v2;
	v8 =	vadd.s32 v43, v42  }
0x7d: {  	v44 =	vsub.s32 s24, v43;
	(v2sf) =	vpush v43, $0xF;
	vm2 =	vgt.s32 v7, v3  }
0x7e: {  	v2 =	vadd.s32 v0, v44;
	v4 =	vsel vm2, $0xFFFFFFFF, v1  }
0x7f: {  	v4 =	vadd.s32 v4, v6;
	_ =	sdelay $0x1  }
0x80: {  	[tilespmem:v8+s12+$0x0] =	vst.idx.msk vm0, v10  }
0x81: {  	[tilespmem:v8+s13+$0x0] =	vst.idx.msk vm0, v5  }
0x82: {  	s0 =	sadd.s32 $0x50, s22;
	[tilespmem:v2+s14+$0x0] =	vst.idx.msk vm1, v5  }
0x83: {  	v5 =	vor.u32 s0, v0;
	v2 =	vld.idx.msk [tilespmem:v4+s10+$0x0], $0xffff  }
0x84: {  	v6 =	vcvt.s32.f32 v5  }
0x85: {  	v4 =	vmul.u32 $0xFFFFFFCE, v4  }
0x86: {  	v6 =	vmul.f32 $1.999999960e-02, v6  }
0x87: {  	v4 =	vadd.s32 v3, v4  }
0x88: {  	v6 =	vtrunc.f32 v6;
	vm0 =	vlt.s32 v4, v2  }
0x89: {  	v6 =	vcvt.f32.s32 v6;
	v7 =	vsel vm0, $0x1, v1  }
0x8a: {  	(xrf0) =	vadd.scan.msk.s32 $0xffff, v7  }
0x8b: {  	s25 =	spop (v2sf);
	v7 =	vadd.s32 $0x1, v6  }
0x8c: {  	s23 =	sadd.s32 s23, s25;
	v45 =	vmul.u32 $0x32, v7  }
0x8d: {  	v46 =	vmov s23  }
0x8e: {  	v9 =	vadd.s32 $0xFFFFFFFF, v46;
	vm1 =	vgt.s32 v45, v5  }
0x8f: {  	v47 =	vbroadcast v9, $0x0;
	v6 =	vsel vm1, v6, v7  }
0x90: {  	s1 =	ssub.s32 s1, s25;
	v7 =	vmul.u32 $0x32, v6;
	v48, _, _ =	vpop (xrf0)  }
0x91: {  	v10 =	vld [tilespmem:s21+$0x0];
	s24 =	sadd.s32 $0x40, s1;
	vm1 =	vge.s32 v4, v2;
	v8 =	vadd.s32 v48, v47  }
0x92: {  	v49 =	vsub.s32 s24, v48;
	(v2sf) =	vpush v48, $0xF;
	vm2 =	vgt.s32 v7, v5  }
0x93: {  	v2 =	vadd.s32 v0, v49;
	v4 =	vsel vm2, $0xFFFFFFFF, v1  }
0x94: {  	v4 =	vadd.s32 v4, v6;
	_ =	sdelay $0x1  }
0x95: {  	[tilespmem:v8+s12+$0x0] =	vst.idx.msk vm0, v10  }
0x96: {  	[tilespmem:v8+s13+$0x0] =	vst.idx.msk vm0, v3  }
0x97: {  	s26 =	sadd.s32 $0x60, s22;
	[tilespmem:v2+s14+$0x0] =	vst.idx.msk vm1, v3  }
0x98: {  	v3 =	vor.u32 s26, v0;
	v2 =	vld.idx.msk [tilespmem:v4+s10+$0x0], $0xffff  }
0x99: {  	v6 =	vcvt.s32.f32 v3  }
0x9a: {  	v4 =	vmul.u32 $0xFFFFFFCE, v4  }
0x9b: {  	v6 =	vmul.f32 $1.999999960e-02, v6  }
0x9c: {  	v4 =	vadd.s32 v5, v4  }
0x9d: {  	v6 =	vtrunc.f32 v6;
	vm0 =	vlt.s32 v4, v2  }
0x9e: {  	v6 =	vcvt.f32.s32 v6;
	v7 =	vsel vm0, $0x1, v1  }
0x9f: {  	(xrf0) =	vadd.scan.msk.s32 $0xffff, v7  }
0xa0: {  	s0 =	spop (v2sf);
	v7 =	vadd.s32 $0x1, v6  }
0xa1: {  	s23 =	sadd.s32 s23, s0;
	v50 =	vmul.u32 $0x32, v7  }
0xa2: {  	v51 =	vmov s23  }
0xa3: {  	v9 =	vadd.s32 $0xFFFFFFFF, v51;
	vm1 =	vgt.s32 v50, v3  }
0xa4: {  	v52 =	vbroadcast v9, $0x0;
	v6 =	vsel vm1, v6, v7  }
0xa5: {  	s1 =	ssub.s32 s1, s0;
	v7 =	vmul.u32 $0x32, v6;
	v53, _, _ =	vpop (xrf0)  }
0xa6: {  	v10 =	vld [tilespmem:s21+$0x10];
	s24 =	sadd.s32 $0x50, s1;
	vm1 =	vge.s32 v4, v2;
	v8 =	vadd.s32 v53, v52  }
0xa7: {  	v54 =	vsub.s32 s24, v53;
	(v2sf) =	vpush v53, $0xF;
	vm2 =	vgt.s32 v7, v3  }
0xa8: {  	v2 =	vadd.s32 v0, v54;
	v4 =	vsel vm2, $0xFFFFFFFF, v1  }
0xa9: {  	v4 =	vadd.s32 v4, v6;
	_ =	sdelay $0x1  }
0xaa: {  	[tilespmem:v8+s12+$0x0] =	vst.idx.msk vm0, v10  }
0xab: {  	[tilespmem:v8+s13+$0x0] =	vst.idx.msk vm0, v5  }
0xac: {  	s22 =	sadd.s32 $0x70, s22;
	[tilespmem:v2+s14+$0x0] =	vst.idx.msk vm1, v5  }
0xad: {  	v5 =	vor.u32 s22, v0;
	v2 =	vld.idx.msk [tilespmem:v4+s10+$0x0], $0xffff  }
0xae: {  	v6 =	vcvt.s32.f32 v5  }
0xaf: {  	v4 =	vmul.u32 $0xFFFFFFCE, v4  }
0xb0: {  	v6 =	vmul.f32 $1.999999960e-02, v6  }
0xb1: {  	v4 =	vadd.s32 v3, v4  }
0xb2: {  	v6 =	vtrunc.f32 v6;
	vm0 =	vlt.s32 v4, v2  }
0xb3: {  	v6 =	vcvt.f32.s32 v6;
	v7 =	vsel vm0, $0x1, v1  }
0xb4: {  	(xrf0) =	vadd.scan.msk.s32 $0xffff, v7  }
0xb5: {  	s25 =	spop (v2sf);
	v7 =	vadd.s32 $0x1, v6  }
0xb6: {  	s23 =	sadd.s32 s23, s25;
	v55 =	vmul.u32 $0x32, v7  }
0xb7: {  	v56 =	vmov s23  }
0xb8: {  	v9 =	vadd.s32 $0xFFFFFFFF, v56;
	vm1 =	vgt.s32 v55, v5  }
0xb9: {  	v57 =	vbroadcast v9, $0x0;
	v6 =	vsel vm1, v6, v7  }
0xba: {  	s1 =	ssub.s32 s1, s25;
	v7 =	vmul.u32 $0x32, v6;
	v58, _, _ =	vpop (xrf0)  }
0xbb: {  	v10 =	vld [tilespmem:s21+$0x20];
	s22 =	sadd.s32 $0x60, s1;
	v8 =	vadd.s32 v58, v57  }
0xbc: {  	vm1 =	vge.s32 v4, v2;
	v59 =	vsub.s32 s22, v58;
	vm2 =	vgt.s32 v7, v5  }
0xbd: {  	(v2sf) =	vpush v58, $0xF;
	v2 =	vadd.s32 v0, v59;
	v4 =	vsel vm2, $0xFFFFFFFF, v1  }
0xbe: {  	v4 =	vadd.s32 v4, v6;
	_ =	sdelay $0x1  }
0xbf: {  	[tilespmem:v8+s12+$0x0] =	vst.idx.msk vm0, v10  }
0xc0: {  	[tilespmem:v8+s13+$0x0] =	vst.idx.msk vm0, v3  }
0xc1: {  	s26 =	rddreg [dreg:$0x4];
	[tilespmem:v2+s14+$0x0] =	vst.idx.msk vm1, v3  }
0xc2: {  	s22 =	sadd.s32 $0x80, s26;
	v3 =	vld.idx.msk [tilespmem:v4+s10+$0x0], $0xffff  }
0xc3: {  	v2 =	vor.u32 s22, v0  }
0xc4: {  	v4 =	vmul.u32 $0xFFFFFFCE, v4;
	v6 =	vcvt.s32.f32 v2;
	_ =	sdelay $0x1  }
0xc5: {  	v6 =	vmul.f32 $1.999999960e-02, v6;
	v4 =	vadd.s32 v5, v4  }
0xc6: {  	vm0 =	vlt.s32 v4, v3  }
0xc7: {  	v6 =	vtrunc.f32 v6;
	v7 =	vsel vm0, $0x1, v1  }
0xc8: {  	v6 =	vcvt.f32.s32 v6;
	(xrf0) =	vadd.scan.msk.s32 $0xffff, v7;
	_ =	sdelay $0x1  }
0xc9: {  	s0 =	spop (v2sf);
	v7 =	vadd.s32 $0x1, v6  }
0xca: {  	s26 =	sadd.s32 s23, s0;
	v60 =	vmul.u32 $0x32, v7  }
0xcb: {  	v61 =	vmov s26  }
0xcc: {  	v9 =	vadd.s32 $0xFFFFFFFF, v61;
	vm1 =	vgt.s32 v60, v2  }
0xcd: {  	v6 =	vsel vm1, v6, v7;
	v7 =	vbroadcast v9, $0x0;
	v62, _, _ =	vpop (xrf0)  }
0xce: {  	s24 =	ssub.s32 s1, s0;
	v63 =	vmul.u32 $0x32, v6;
	(v2sf) =	vpush v62, $0xF  }
0xcf: {  	v10 =	vld [tilespmem:s21+$0x30];
	s1 =	sadd.s32 $0x70, s24;
	v7 =	vadd.s32 v62, v7  }
0xd0: {  	vm2 =	vge.s32 v4, v3;
	v8 =	vsub.s32 s1, v62;
	vm1 =	vgt.s32 v63, v2  }
0xd1: {  	v3 =	vsel vm1, $0xFFFFFFFF, v1;
	v4 =	vadd.s32 v0, v8  }
0xd2: {  	v6 =	vadd.s32 v3, v6;
	_ =	sdelay $0x1  }
0xd3: {  	[tilespmem:v7+s12+$0x0] =	vst.idx.msk vm0, v10  }
0xd4: {  	[tilespmem:v7+s13+$0x0] =	vst.idx.msk vm0, v5  }
0xd5: {  	[tilespmem:v4+s14+$0x0] =	vst.idx.msk vm2, v5  }
0xd6: {  	s25 =	sadd.s32 $0x10, s22;
	v4 =	vld.idx.msk [tilespmem:v6+s10+$0x0], $0xffff  }
0xd7: {  	v3 =	vor.u32 s25, v0  }
0xd8: {  	v5 =	vmul.u32 $0xFFFFFFCE, v6;
	v6 =	vcvt.s32.f32 v3;
	_ =	sdelay $0x1  }
0xd9: {  	s30 =	sadd.s32 $0x20, s22;
	v5 =	vadd.s32 v2, v5;
	v6 =	vmul.f32 $1.999999960e-02, v6  }
0xda: {  	s29 =	sadd.s32 $0x30, s22;
	s28 =	sadd.s32 $0x40, s22;
	s23 =	sadd.s32 $0x60, s22;
	vm0 =	vlt.s32 v5, v4  }
0xdb: {  	s1 =	simm.s32 $0x100;
	s25 =	sadd.s32 $0x50, s22;
	v6 =	vtrunc.f32 v6;
	v7 =	vsel vm0, $0x1, v1;
	s0 =	spop (v2sf)  }
0xdc: {  	s22 =	sadd.s32 $0x70, s22;
	vm1 =	vge.s32 v5, v4;
	v4 =	vcvt.f32.s32 v6;
	(xrf0) =	vadd.scan.msk.s32 $0xffff, v7;
	s31 =	sadd.s32 s26, s0;
	s26 =	ssub.s32 s24, s0  }
.LBB2_2:
0xdd: {  	_ = 	snop  }
0xde: {  	v5 =	vadd.s32 $0x1, v4  }
0xdf: {  	v6 =	vmul.u32 $0x32, v5  }
0xe0: {  	v7 =	vmov s31  }
0xe1: {  	v8 =	vadd.s32 $0xFFFFFFFF, v7;
	vm2 =	vgt.s32 v6, v3  }
0xe2: {  	v6 =	vbroadcast v8, $0x0;
	v4 =	vsel vm2, v4, v5  }
0xe3: {  	s21 =	sadd.s32 $0x80, s21;
	v7, _, _ =	vpop (xrf0);
	v5 =	vmul.u32 $0x32, v4  }
0xe4: {  	s0 =	sadd.s32 $0x80, s26;
	v28 =	vld [tilespmem:s21+$0xFFFFFFC0];
	v6 =	vadd.s32 v7, v6  }
0xe5: {  	v9 =	vsub.s32 s0, v7;
	(v2sf) =	vpush v7, $0xF;
	vm2 =	vgt.s32 v5, v3  }
0xe6: {  	v5 =	vadd.s32 v0, v9;
	v7 =	vsel vm2, $0xFFFFFFFF, v1  }
0xe7: {  	v4 =	vadd.s32 v7, v4;
	_ =	sdelay $0x1  }
0xe8: {  	[tilespmem:v6+s12+$0x0] =	vst.idx.msk vm0, v28  }
0xe9: {  	[tilespmem:v6+s13+$0x0] =	vst.idx.msk vm0, v2  }
0xea: {  	[tilespmem:v5+s14+$0x0] =	vst.idx.msk vm1, v2  }
0xeb: {  	v7 =	vmul.u32 $0xFFFFFFCE, v4;
	v2 =	vld.idx.msk [tilespmem:v4+s10+$0x0], $0xffff;
	v4 =	vor.u32 s30, v0  }
0xec: {  	v5 =	vcvt.s32.f32 v4;
	_ =	sdelay $0x1  }
0xed: {  	v5 =	vmul.f32 $1.999999960e-02, v5  }
0xee: {  	v6 =	vadd.s32 v3, v7  }
0xef: {  	vm0 =	vlt.s32 v6, v2;
	v5 =	vtrunc.f32 v5  }
0xf0: {  	v7 =	vsel vm0, $0x1, v1;
	v5 =	vcvt.f32.s32 v5  }
0xf1: {  	s26 =	smov.u32 s1;
	(xrf0) =	vadd.scan.msk.s32 $0xffff, v7  }
0xf2: {  	s24 =	sadd.s32 $0x80, s1;
	p0 =	sne.s32 s1, $0x1880;
	s1 =	spop (v2sf);
	v29 =	vadd.s32 $0x1, v5  }
0xf3: {  	s30 =	sadd.s32 s31, s1;
	v30 =	vmul.u32 $0x32, v29  }
0xf4: {  	v7 =	vmov s30  }
0xf5: {  	v7 =	vadd.s32 $0xFFFFFFFF, v7;
	vm1 =	vgt.s32 v30, v4  }
0xf6: {  	v7 =	vbroadcast v7, $0x0;
	v5 =	vsel vm1, v5, v29  }
0xf7: {  	s0 =	ssub.s32 s0, s1;
	v8 =	vmul.u32 $0x32, v5;
	v31, _, _ =	vpop (xrf0)  }
0xf8: {  	v10 =	vld [tilespmem:s21+$0xFFFFFFD0];
	s1 =	sadd.s32 $0x10, s0;
	vm1 =	vge.s32 v6, v2;
	v7 =	vadd.s32 v31, v7  }
0xf9: {  	v11 =	vsub.s32 s1, v31;
	(v2sf) =	vpush v31, $0xF;
	vm2 =	vgt.s32 v8, v4  }
0xfa: {  	v2 =	vadd.s32 v0, v11;
	v6 =	vsel vm2, $0xFFFFFFFF, v1  }
0xfb: {  	v5 =	vadd.s32 v6, v5;
	_ =	sdelay $0x1  }
0xfc: {  	[tilespmem:v7+s12+$0x0] =	vst.idx.msk vm0, v10  }
0xfd: {  	[tilespmem:v7+s13+$0x0] =	vst.idx.msk vm0, v3  }
0xfe: {  	[tilespmem:v2+s14+$0x0] =	vst.idx.msk vm1, v3  }
0xff: {  	v3 =	vor.u32 s29, v0;
	v2 =	vld.idx.msk [tilespmem:v5+s10+$0x0], $0xffff  }
0x100: {  	v6 =	vmul.u32 $0xFFFFFFCE, v5;
	v5 =	vcvt.s32.f32 v3;
	_ =	sdelay $0x1  }
0x101: {  	v5 =	vmul.f32 $1.999999960e-02, v5  }
0x102: {  	v6 =	vadd.s32 v4, v6  }
0x103: {  	v5 =	vtrunc.f32 v5;
	vm0 =	vlt.s32 v6, v2  }
0x104: {  	v5 =	vcvt.f32.s32 v5;
	v7 =	vsel vm0, $0x1, v1  }
0x105: {  	(xrf0) =	vadd.scan.msk.s32 $0xffff, v7  }
0x106: {  	s1 =	spop (v2sf);
	v32 =	vadd.s32 $0x1, v5  }
0x107: {  	s29 =	sadd.s32 s30, s1;
	v33 =	vmul.u32 $0x32, v32  }
0x108: {  	v7 =	vmov s29  }
0x109: {  	v7 =	vadd.s32 $0xFFFFFFFF, v7;
	vm1 =	vgt.s32 v33, v3  }
0x10a: {  	v7 =	vbroadcast v7, $0x0;
	v5 =	vsel vm1, v5, v32  }
0x10b: {  	s0 =	ssub.s32 s0, s1;
	v8 =	vmul.u32 $0x32, v5;
	v34, _, _ =	vpop (xrf0)  }
0x10c: {  	v10 =	vld [tilespmem:s21+$0xFFFFFFE0];
	s1 =	sadd.s32 $0x20, s0;
	vm1 =	vge.s32 v6, v2;
	v7 =	vadd.s32 v34, v7  }
0x10d: {  	v35 =	vsub.s32 s1, v34;
	(v2sf) =	vpush v34, $0xF;
	vm2 =	vgt.s32 v8, v3  }
0x10e: {  	v2 =	vadd.s32 v0, v35;
	v6 =	vsel vm2, $0xFFFFFFFF, v1  }
0x10f: {  	v5 =	vadd.s32 v6, v5;
	_ =	sdelay $0x1  }
0x110: {  	[tilespmem:v7+s12+$0x0] =	vst.idx.msk vm0, v10  }
0x111: {  	[tilespmem:v7+s13+$0x0] =	vst.idx.msk vm0, v4  }
0x112: {  	[tilespmem:v2+s14+$0x0] =	vst.idx.msk vm1, v4  }
0x113: {  	v4 =	vor.u32 s28, v0;
	v2 =	vld.idx.msk [tilespmem:v5+s10+$0x0], $0xffff  }
0x114: {  	v6 =	vmul.u32 $0xFFFFFFCE, v5;
	v5 =	vcvt.s32.f32 v4;
	_ =	sdelay $0x1  }
0x115: {  	v5 =	vmul.f32 $1.999999960e-02, v5  }
0x116: {  	v6 =	vadd.s32 v3, v6  }
0x117: {  	v5 =	vtrunc.f32 v5;
	vm0 =	vlt.s32 v6, v2  }
0x118: {  	v5 =	vcvt.f32.s32 v5;
	v7 =	vsel vm0, $0x1, v1  }
0x119: {  	(xrf0) =	vadd.scan.msk.s32 $0xffff, v7  }
0x11a: {  	s1 =	spop (v2sf);
	v36 =	vadd.s32 $0x1, v5  }
0x11b: {  	s28 =	sadd.s32 s29, s1;
	v37 =	vmul.u32 $0x32, v36  }
0x11c: {  	v7 =	vmov s28  }
0x11d: {  	v7 =	vadd.s32 $0xFFFFFFFF, v7;
	vm1 =	vgt.s32 v37, v4  }
0x11e: {  	v7 =	vbroadcast v7, $0x0;
	v5 =	vsel vm1, v5, v36  }
0x11f: {  	s0 =	ssub.s32 s0, s1;
	v8 =	vmul.u32 $0x32, v5;
	v38, _, _ =	vpop (xrf0)  }
0x120: {  	v10 =	vld [tilespmem:s21+$0xFFFFFFF0];
	s1 =	sadd.s32 $0x30, s0;
	vm1 =	vge.s32 v6, v2;
	v7 =	vadd.s32 v38, v7  }
0x121: {  	v39 =	vsub.s32 s1, v38;
	(v2sf) =	vpush v38, $0xF;
	vm2 =	vgt.s32 v8, v4  }
0x122: {  	v2 =	vadd.s32 v0, v39;
	v6 =	vsel vm2, $0xFFFFFFFF, v1  }
0x123: {  	v5 =	vadd.s32 v6, v5;
	_ =	sdelay $0x1  }
0x124: {  	[tilespmem:v7+s12+$0x0] =	vst.idx.msk vm0, v10  }
0x125: {  	[tilespmem:v7+s13+$0x0] =	vst.idx.msk vm0, v3  }
0x126: {  	[tilespmem:v2+s14+$0x0] =	vst.idx.msk vm1, v3  }
0x127: {  	v3 =	vor.u32 s25, v0;
	v2 =	vld.idx.msk [tilespmem:v5+s10+$0x0], $0xffff  }
0x128: {  	v6 =	vmul.u32 $0xFFFFFFCE, v5;
	v5 =	vcvt.s32.f32 v3;
	_ =	sdelay $0x1  }
0x129: {  	v5 =	vmul.f32 $1.999999960e-02, v5  }
0x12a: {  	v6 =	vadd.s32 v4, v6  }
0x12b: {  	v5 =	vtrunc.f32 v5;
	vm0 =	vlt.s32 v6, v2  }
0x12c: {  	v5 =	vcvt.f32.s32 v5;
	v7 =	vsel vm0, $0x1, v1  }
0x12d: {  	(xrf0) =	vadd.scan.msk.s32 $0xffff, v7  }
0x12e: {  	s1 =	spop (v2sf);
	v40 =	vadd.s32 $0x1, v5  }
0x12f: {  	s25 =	sadd.s32 s28, s1;
	v41 =	vmul.u32 $0x32, v40  }
0x130: {  	v7 =	vmov s25  }
0x131: {  	v7 =	vadd.s32 $0xFFFFFFFF, v7;
	vm1 =	vgt.s32 v41, v3  }
0x132: {  	v7 =	vbroadcast v7, $0x0;
	v5 =	vsel vm1, v5, v40  }
0x133: {  	s0 =	ssub.s32 s0, s1;
	v8 =	vmul.u32 $0x32, v5;
	v42, _, _ =	vpop (xrf0)  }
0x134: {  	v10 =	vld [tilespmem:s21+$0x0];
	s1 =	sadd.s32 $0x40, s0;
	vm1 =	vge.s32 v6, v2;
	v7 =	vadd.s32 v42, v7  }
0x135: {  	v43 =	vsub.s32 s1, v42;
	(v2sf) =	vpush v42, $0xF;
	vm2 =	vgt.s32 v8, v3  }
0x136: {  	v2 =	vadd.s32 v0, v43;
	v6 =	vsel vm2, $0xFFFFFFFF, v1  }
0x137: {  	v5 =	vadd.s32 v6, v5;
	_ =	sdelay $0x1  }
0x138: {  	[tilespmem:v7+s12+$0x0] =	vst.idx.msk vm0, v10  }
0x139: {  	[tilespmem:v7+s13+$0x0] =	vst.idx.msk vm0, v4  }
0x13a: {  	[tilespmem:v2+s14+$0x0] =	vst.idx.msk vm1, v4  }
0x13b: {  	v6 =	vmul.u32 $0xFFFFFFCE, v5;
	v2 =	vld.idx.msk [tilespmem:v5+s10+$0x0], $0xffff;
	v5 =	vor.u32 s23, v0  }
0x13c: {  	v7 =	vcvt.s32.f32 v5;
	_ =	sdelay $0x1  }
0x13d: {  	v7 =	vmul.f32 $1.999999960e-02, v7  }
0x13e: {  	v6 =	vadd.s32 v3, v6  }
0x13f: {  	vm0 =	vlt.s32 v6, v2;
	v7 =	vtrunc.f32 v7  }
0x140: {  	v44 =	vsel vm0, $0x1, v1;
	v7 =	vcvt.f32.s32 v7  }
0x141: {  	(xrf0) =	vadd.scan.msk.s32 $0xffff, v44  }
0x142: {  	s23 =	spop (v2sf);
	v46 =	vadd.s32 $0x1, v7  }
0x143: {  	s25 =	sadd.s32 s25, s23;
	v47 =	vmul.u32 $0x32, v46  }
0x144: {  	v45 =	vmov s25  }
0x145: {  	v8 =	vadd.s32 $0xFFFFFFFF, v45;
	vm1 =	vgt.s32 v47, v5  }
0x146: {  	v8 =	vbroadcast v8, $0x0;
	v7 =	vsel vm1, v7, v46  }
0x147: {  	s0 =	ssub.s32 s0, s23;
	v9 =	vmul.u32 $0x32, v7;
	v48, _, _ =	vpop (xrf0)  }
0x148: {  	v4 =	vld [tilespmem:s21+$0x10];
	s1 =	sadd.s32 $0x50, s0;
	vm1 =	vge.s32 v6, v2;
	v8 =	vadd.s32 v48, v8  }
0x149: {  	v49 =	vsub.s32 s1, v48;
	(v2sf) =	vpush v48, $0xF;
	vm2 =	vgt.s32 v9, v5  }
0x14a: {  	v2 =	vadd.s32 v0, v49;
	v6 =	vsel vm2, $0xFFFFFFFF, v1  }
0x14b: {  	v6 =	vadd.s32 v6, v7;
	_ =	sdelay $0x1  }
0x14c: {  	[tilespmem:v8+s12+$0x0] =	vst.idx.msk vm0, v4  }
0x14d: {  	[tilespmem:v8+s13+$0x0] =	vst.idx.msk vm0, v3  }
0x14e: {  	[tilespmem:v2+s14+$0x0] =	vst.idx.msk vm1, v3  }
0x14f: {  	v4 =	vor.u32 s22, v0;
	v2 =	vld.idx.msk [tilespmem:v6+s10+$0x0], $0xffff  }
0x150: {  	v7 =	vmul.u32 $0xFFFFFFCE, v6;
	v6 =	vcvt.s32.f32 v4;
	_ =	sdelay $0x1  }
0x151: {  	v6 =	vmul.f32 $1.999999960e-02, v6  }
0x152: {  	v7 =	vadd.s32 v5, v7  }
0x153: {  	v6 =	vtrunc.f32 v6;
	vm0 =	vlt.s32 v7, v2  }
0x154: {  	v6 =	vcvt.f32.s32 v6;
	v50 =	vsel vm0, $0x1, v1  }
0x155: {  	(xrf0) =	vadd.scan.msk.s32 $0xffff, v50  }
0x156: {  	s22 =	spop (v2sf);
	v52 =	vadd.s32 $0x1, v6  }
0x157: {  	s31 =	sadd.s32 s25, s22;
	v53 =	vmul.u32 $0x32, v52  }
0x158: {  	v51 =	vmov s31  }
0x159: {  	v8 =	vadd.s32 $0xFFFFFFFF, v51;
	vm1 =	vgt.s32 v53, v4  }
0x15a: {  	v8 =	vbroadcast v8, $0x0;
	v6 =	vsel vm1, v6, v52  }
0x15b: {  	s1 =	ssub.s32 s0, s22;
	v9 =	vmul.u32 $0x32, v6;
	v54, _, _ =	vpop (xrf0)  }
0x15c: {  	v3 =	vld [tilespmem:s21+$0x20];
	s0 =	sadd.s32 $0x60, s1;
	v8 =	vadd.s32 v54, v8  }
0x15d: {  	vm1 =	vge.s32 v7, v2;
	v55 =	vsub.s32 s0, v54;
	vm2 =	vgt.s32 v9, v4  }
0x15e: {  	(v2sf) =	vpush v54, $0xF;
	v2 =	vadd.s32 v0, v55;
	v7 =	vsel vm2, $0xFFFFFFFF, v1  }
0x15f: {  	v6 =	vadd.s32 v7, v6;
	_ =	sdelay $0x1  }
0x160: {  	[tilespmem:v8+s12+$0x0] =	vst.idx.msk vm0, v3  }
0x161: {  	[tilespmem:v8+s13+$0x0] =	vst.idx.msk vm0, v5  }
0x162: {  	s25 =	rddreg [dreg:$0x4];
	[tilespmem:v2+s14+$0x0] =	vst.idx.msk vm1, v5  }
0x163: {  	s0 =	sadd.s32 s26, s25;
	v3 =	vld.idx.msk [tilespmem:v6+s10+$0x0], $0xffff  }
0x164: {  	v2 =	vor.u32 s0, v0  }
0x165: {  	v7 =	vmul.u32 $0xFFFFFFCE, v6;
	v6 =	vcvt.s32.f32 v2;
	_ =	sdelay $0x1  }
0x166: {  	v7 =	vadd.s32 v4, v7;
	v6 =	vmul.f32 $1.999999960e-02, v6  }
0x167: {  	vm0 =	vlt.s32 v7, v3  }
0x168: {  	v6 =	vtrunc.f32 v6;
	v56 =	vsel vm0, $0x1, v1  }
0x169: {  	s26 =	sadd.s32 $0x10, s0;
	s30 =	sadd.s32 $0x20, s0;
	v6 =	vcvt.f32.s32 v6;
	(xrf0) =	vadd.scan.msk.s32 $0xffff, v56  }
0x16a: {  	s29 =	sadd.s32 $0x30, s0;
	s28 =	sadd.s32 $0x40, s0;
	s25 =	sadd.s32 $0x50, s0  }
0x16b: {  	s23 =	sadd.s32 $0x60, s0;
	s22 =	sadd.s32 $0x70, s0;
	s0 =	spop (v2sf);
	v57 =	vadd.s32 $0x1, v6  }
0x16c: {  	s31 =	sadd.s32 s31, s0;
	v59 =	vmul.u32 $0x32, v57  }
0x16d: {  	v58 =	vmov s31  }
0x16e: {  	v9 =	vadd.s32 $0xFFFFFFFF, v58;
	vm1 =	vgt.s32 v59, v2  }
0x16f: {  	v6 =	vsel vm1, v6, v57;
	v60 =	vbroadcast v9, $0x0;
	v62, _, _ =	vpop (xrf0)  }
0x170: {  	s0 =	ssub.s32 s1, s0;
	v61 =	vmul.u32 $0x32, v6;
	(v2sf) =	vpush v62, $0xF  }
0x171: {  	v5 =	vld [tilespmem:s21+$0x30];
	s1 =	sadd.s32 $0x70, s0;
	v8 =	vadd.s32 v62, v60  }
0x172: {  	vm2 =	vge.s32 v7, v3;
	v63 =	vsub.s32 s1, v62;
	vm1 =	vgt.s32 v61, v2  }
0x173: {  	v3 =	vsel vm1, $0xFFFFFFFF, v1;
	v7 =	vadd.s32 v0, v63  }
0x174: {  	v3 =	vadd.s32 v3, v6;
	_ =	sdelay $0x1  }
0x175: {  	[tilespmem:v8+s12+$0x0] =	vst.idx.msk vm0, v5  }
0x176: {  	[tilespmem:v8+s13+$0x0] =	vst.idx.msk vm0, v4  }
0x177: {  	[tilespmem:v7+s14+$0x0] =	vst.idx.msk vm2, v4  }
0x178: {  	v6 =	vmul.u32 $0xFFFFFFCE, v3;
	v4 =	vld.idx.msk [tilespmem:v3+s10+$0x0], $0xffff  }
0x179: {  	v3 =	vor.u32 s26, v0  }
0x17a: {  	v5 =	vadd.s32 v2, v6;
	v6 =	vcvt.s32.f32 v3  }
.Ltmp2:
0x17b: {  	_ = 	snop;
	(pc) =	sbr.rel @p0 .LBB2_2-.Ltmp2, $4  }
0x17c: {  	v6 =	vmul.f32 $1.999999960e-02, v6  }
0x17d: {  	vm0 =	vlt.s32 v5, v4  }
0x17e: {  	vm1 =	vge.s32 v5, v4;
	v4 =	vtrunc.f32 v6;
	v5 =	vsel vm0, $0x1, v1;
	s26 =	spop (v2sf)  }
0x17f: {  	s1 =	smov.u32 s24;
	v4 =	vcvt.f32.s32 v4;
	(xrf0) =	vadd.scan.msk.s32 $0xffff, v5;
	s31 =	sadd.s32 s31, s26;
	s26 =	ssub.s32 s0, s26  }
0x180: {  	_ = 	snop  }
0x181: {  	v5 =	vadd.s32 $0x1, v4  }
0x182: {  	v6 =	vmul.u32 $0x32, v5  }
0x183: {  	v7 =	vmov s31  }
0x184: {  	v7 =	vadd.s32 $0xFFFFFFFF, v7;
	vm2 =	vgt.s32 v6, v3  }
0x185: {  	v14 =	vbroadcast v7, $0x0;
	v4 =	vsel vm2, v4, v5  }
0x186: {  	s21 =	sadd.s32 $0x80, s21;
	v15, _, _ =	vpop (xrf0);
	v5 =	vmul.u32 $0x32, v4  }
0x187: {  	s0 =	sadd.s32 $0x80, s26;
	v8 =	vld [tilespmem:s21+$0xFFFFFFC0];
	v6 =	vadd.s32 v15, v14  }
0x188: {  	v9 =	vsub.s32 s0, v15;
	(v2sf) =	vpush v15, $0xF;
	vm5 =	vgt.s32 v5, v3  }
0x189: {  	v16 =	vadd.s32 v0, v9;
	v17 =	vsel vm5, $0xFFFFFFFF, v1  }
0x18a: {  	v4 =	vadd.s32 v17, v4;
	_ =	sdelay $0x1  }
0x18b: {  	[tilespmem:v6+s12+$0x0] =	vst.idx.msk vm0, v8  }
0x18c: {  	[tilespmem:v6+s13+$0x0] =	vst.idx.msk vm0, v2  }
0x18d: {  	[tilespmem:v16+s14+$0x0] =	vst.idx.msk vm1, v2  }
0x18e: {  	v18 =	vor.u32 s30, v0;
	v2 =	vld.idx.msk [tilespmem:v4+s10+$0x0], $0xffff  }
0x18f: {  	v19 =	vcvt.s32.f32 v18  }
0x190: {  	v4 =	vmul.u32 $0xFFFFFFCE, v4  }
0x191: {  	v6 =	vmul.f32 $1.999999960e-02, v19  }
0x192: {  	v4 =	vadd.s32 v3, v4  }
0x193: {  	v6 =	vtrunc.f32 v6;
	vm6 =	vlt.s32 v4, v2  }
0x194: {  	v6 =	vcvt.f32.s32 v6;
	v20 =	vsel vm6, $0x1, v1  }
0x195: {  	(xrf0) =	vadd.scan.msk.s32 $0xffff, v20  }
0x196: {  	v21 =	vadd.s32 $0x1, v6;
	s1 =	spop (v2sf)  }
0x197: {  	v22 =	vmul.u32 $0x32, v21;
	s24 =	sadd.s32 s31, s1  }
0x198: {  	v23 =	vmov s24  }
0x199: {  	vm7 =	vgt.s32 v22, v18;
	v9 =	vadd.s32 $0xFFFFFFFF, v23  }
0x19a: {  	v6 =	vsel vm7, v6, v21;
	v24 =	vbroadcast v9, $0x0  }
0x19b: {  	s0 =	ssub.s32 s0, s1;
	v7 =	vmul.u32 $0x32, v6;
	v25, _, _ =	vpop (xrf0)  }
0x19c: {  	v10 =	vld [tilespmem:s21+$0xFFFFFFD0];
	vm8 =	vge.s32 v4, v2;
	s1 =	sadd.s32 $0x10, s0;
	v8 =	vadd.s32 v25, v24  }
0x19d: {  	vm9 =	vgt.s32 v7, v18;
	v11 =	vsub.s32 s1, v25;
	(v2sf) =	vpush v25, $0xF  }
0x19e: {  	v26 =	vsel vm9, $0xFFFFFFFF, v1;
	v2 =	vadd.s32 v0, v11  }
0x19f: {  	v4 =	vadd.s32 v26, v6;
	_ =	sdelay $0x1  }
0x1a0: {  	[tilespmem:v8+s12+$0x0] =	vst.idx.msk vm6, v10  }
0x1a1: {  	[tilespmem:v8+s13+$0x0] =	vst.idx.msk vm6, v3  }
0x1a2: {  	[tilespmem:v2+s14+$0x0] =	vst.idx.msk vm8, v3  }
0x1a3: {  	v3 =	vor.u32 s29, v0;
	v2 =	vld.idx.msk [tilespmem:v4+s10+$0x0], $0xffff  }
0x1a4: {  	v27 =	vcvt.s32.f32 v3  }
0x1a5: {  	v4 =	vmul.u32 $0xFFFFFFCE, v4  }
0x1a6: {  	v6 =	vmul.f32 $1.999999960e-02, v27  }
0x1a7: {  	v4 =	vadd.s32 v18, v4  }
0x1a8: {  	v6 =	vtrunc.f32 v6;
	vm10 =	vlt.s32 v4, v2  }
0x1a9: {  	v6 =	vcvt.f32.s32 v6;
	v28 =	vsel vm10, $0x1, v1  }
0x1aa: {  	(xrf0) =	vadd.scan.msk.s32 $0xffff, v28  }
0x1ab: {  	s30 =	spop (v2sf);
	v29 =	vadd.s32 $0x1, v6  }
0x1ac: {  	s24 =	sadd.s32 s24, s30;
	v30 =	vmul.u32 $0x32, v29  }
0x1ad: {  	v31 =	vmov s24  }
0x1ae: {  	v9 =	vadd.s32 $0xFFFFFFFF, v31;
	vm11 =	vgt.s32 v30, v3  }
0x1af: {  	v32 =	vbroadcast v9, $0x0;
	v6 =	vsel vm11, v6, v29  }
0x1b0: {  	s0 =	ssub.s32 s0, s30;
	v7 =	vmul.u32 $0x32, v6;
	v33, _, _ =	vpop (xrf0)  }
0x1b1: {  	v10 =	vld [tilespmem:s21+$0xFFFFFFE0];
	vm12 =	vge.s32 v4, v2;
	s1 =	sadd.s32 $0x20, s0;
	v8 =	vadd.s32 v33, v32  }
0x1b2: {  	v34 =	vsub.s32 s1, v33;
	(v2sf) =	vpush v33, $0xF;
	vm13 =	vgt.s32 v7, v3  }
0x1b3: {  	v2 =	vadd.s32 v0, v34;
	v35 =	vsel vm13, $0xFFFFFFFF, v1  }
0x1b4: {  	v4 =	vadd.s32 v35, v6;
	_ =	sdelay $0x1  }
0x1b5: {  	[tilespmem:v8+s12+$0x0] =	vst.idx.msk vm10, v10  }
0x1b6: {  	[tilespmem:v8+s13+$0x0] =	vst.idx.msk vm10, v18  }
0x1b7: {  	[tilespmem:v2+s14+$0x0] =	vst.idx.msk vm12, v18  }
0x1b8: {  	v36 =	vor.u32 s28, v0;
	v2 =	vld.idx.msk [tilespmem:v4+s10+$0x0], $0xffff  }
0x1b9: {  	v37 =	vcvt.s32.f32 v36  }
0x1ba: {  	v4 =	vmul.u32 $0xFFFFFFCE, v4  }
0x1bb: {  	v6 =	vmul.f32 $1.999999960e-02, v37  }
0x1bc: {  	v4 =	vadd.s32 v3, v4  }
0x1bd: {  	v6 =	vtrunc.f32 v6;
	vm14 =	vlt.s32 v4, v2  }
0x1be: {  	v6 =	vcvt.f32.s32 v6;
	v38 =	vsel vm14, $0x1, v1  }
0x1bf: {  	(xrf0) =	vadd.scan.msk.s32 $0xffff, v38  }
0x1c0: {  	v39 =	vadd.s32 $0x1, v6;
	s31 =	spop (v2sf)  }
0x1c1: {  	v40 =	vmul.u32 $0x32, v39;
	s24 =	sadd.s32 s24, s31  }
0x1c2: {  	v41 =	vmov s24  }
0x1c3: {  	vm15 =	vgt.s32 v40, v36;
	v9 =	vadd.s32 $0xFFFFFFFF, v41  }
0x1c4: {  	v6 =	vsel vm15, v6, v39;
	v42 =	vbroadcast v9, $0x0  }
0x1c5: {  	v7 =	vmul.u32 $0x32, v6;
	s0 =	ssub.s32 s0, s31;
	v43, _, _ =	vpop (xrf0)  }
0x1c6: {  	v10 =	vld [tilespmem:s21+$0xFFFFFFF0];
	vm4 =	vge.s32 v4, v2;
	s1 =	sadd.s32 $0x30, s0;
	v8 =	vadd.s32 v43, v42  }
0x1c7: {  	vm5 =	vgt.s32 v7, v36;
	v44 =	vsub.s32 s1, v43;
	(v2sf) =	vpush v43, $0xF  }
0x1c8: {  	v45 =	vsel vm5, $0xFFFFFFFF, v1;
	v2 =	vadd.s32 v0, v44  }
0x1c9: {  	v4 =	vadd.s32 v45, v6;
	_ =	sdelay $0x1  }
0x1ca: {  	[tilespmem:v8+s12+$0x0] =	vst.idx.msk vm14, v10  }
0x1cb: {  	[tilespmem:v8+s13+$0x0] =	vst.idx.msk vm14, v3  }
0x1cc: {  	[tilespmem:v2+s14+$0x0] =	vst.idx.msk vm4, v3  }
0x1cd: {  	v3 =	vor.u32 s25, v0;
	v2 =	vld.idx.msk [tilespmem:v4+s10+$0x0], $0xffff  }
0x1ce: {  	v46 =	vcvt.s32.f32 v3  }
0x1cf: {  	v4 =	vmul.u32 $0xFFFFFFCE, v4  }
0x1d0: {  	v6 =	vmul.f32 $1.999999960e-02, v46  }
0x1d1: {  	v4 =	vadd.s32 v36, v4  }
0x1d2: {  	v6 =	vtrunc.f32 v6;
	vm6 =	vlt.s32 v4, v2  }
0x1d3: {  	v6 =	vcvt.f32.s32 v6;
	v47 =	vsel vm6, $0x1, v1  }
0x1d4: {  	(xrf0) =	vadd.scan.msk.s32 $0xffff, v47  }
0x1d5: {  	s26 =	spop (v2sf);
	v48 =	vadd.s32 $0x1, v6  }
0x1d6: {  	s24 =	sadd.s32 s24, s26;
	v49 =	vmul.u32 $0x32, v48  }
0x1d7: {  	v50 =	vmov s24  }
0x1d8: {  	v9 =	vadd.s32 $0xFFFFFFFF, v50;
	vm7 =	vgt.s32 v49, v3  }
0x1d9: {  	v51 =	vbroadcast v9, $0x0;
	v6 =	vsel vm7, v6, v48  }
0x1da: {  	s0 =	ssub.s32 s0, s26;
	v7 =	vmul.u32 $0x32, v6;
	v52, _, _ =	vpop (xrf0)  }
0x1db: {  	v10 =	vld [tilespmem:s21+$0x0];
	vm8 =	vge.s32 v4, v2;
	s1 =	sadd.s32 $0x40, s0;
	v8 =	vadd.s32 v52, v51  }
0x1dc: {  	v53 =	vsub.s32 s1, v52;
	(v2sf) =	vpush v52, $0xF;
	vm9 =	vgt.s32 v7, v3  }
0x1dd: {  	v2 =	vadd.s32 v0, v53;
	v54 =	vsel vm9, $0xFFFFFFFF, v1  }
0x1de: {  	v4 =	vadd.s32 v54, v6;
	_ =	sdelay $0x1  }
0x1df: {  	[tilespmem:v8+s12+$0x0] =	vst.idx.msk vm6, v10  }
0x1e0: {  	[tilespmem:v8+s13+$0x0] =	vst.idx.msk vm6, v36  }
0x1e1: {  	[tilespmem:v2+s14+$0x0] =	vst.idx.msk vm8, v36  }
0x1e2: {  	v55 =	vor.u32 s23, v0;
	v2 =	vld.idx.msk [tilespmem:v4+s10+$0x0], $0xffff  }
0x1e3: {  	v56 =	vcvt.s32.f32 v55  }
0x1e4: {  	v4 =	vmul.u32 $0xFFFFFFCE, v4  }
0x1e5: {  	v6 =	vmul.f32 $1.999999960e-02, v56  }
0x1e6: {  	v4 =	vadd.s32 v3, v4  }
0x1e7: {  	v6 =	vtrunc.f32 v6;
	vm10 =	vlt.s32 v4, v2  }
0x1e8: {  	v6 =	vcvt.f32.s32 v6;
	v57 =	vsel vm10, $0x1, v1  }
0x1e9: {  	(xrf0) =	vadd.scan.msk.s32 $0xffff, v57  }
0x1ea: {  	v58 =	vadd.s32 $0x1, v6;
	s28 =	spop (v2sf)  }
0x1eb: {  	v59 =	vmul.u32 $0x32, v58;
	s29 =	sadd.s32 s24, s28  }
0x1ec: {  	v60 =	vmov s29  }
0x1ed: {  	vm11 =	vgt.s32 v59, v55;
	v9 =	vadd.s32 $0xFFFFFFFF, v60  }
0x1ee: {  	v6 =	vsel vm11, v6, v58;
	v61 =	vbroadcast v9, $0x0  }
0x1ef: {  	v7 =	vmul.u32 $0x32, v6;
	s0 =	ssub.s32 s0, s28;
	v62, _, _ =	vpop (xrf0)  }
0x1f0: {  	v10 =	vld [tilespmem:s21+$0x10];
	vm12 =	vge.s32 v4, v2;
	s1 =	sadd.s32 $0x50, s0;
	v8 =	vadd.s32 v62, v61  }
0x1f1: {  	vm13 =	vgt.s32 v7, v55;
	v63 =	vsub.s32 s1, v62;
	(v2sf) =	vpush v62, $0xF  }
0x1f2: {  	v9 =	vsel vm13, $0xFFFFFFFF, v1;
	v2 =	vadd.s32 v0, v63  }
0x1f3: {  	v4 =	vadd.s32 v9, v6;
	_ =	sdelay $0x1  }
0x1f4: {  	[tilespmem:v8+s12+$0x0] =	vst.idx.msk vm10, v10  }
0x1f5: {  	[tilespmem:v8+s13+$0x0] =	vst.idx.msk vm10, v3  }
0x1f6: {  	[tilespmem:v2+s14+$0x0] =	vst.idx.msk vm12, v3  }
0x1f7: {  	v3 =	vor.u32 s22, v0;
	v2 =	vld.idx.msk [tilespmem:v4+s10+$0x0], $0xffff  }
0x1f8: {  	v11 =	vcvt.s32.f32 v3  }
0x1f9: {  	v4 =	vmul.u32 $0xFFFFFFCE, v4  }
0x1fa: {  	v6 =	vmul.f32 $1.999999960e-02, v11  }
0x1fb: {  	v4 =	vadd.s32 v55, v4  }
0x1fc: {  	v6 =	vtrunc.f32 v6;
	vm14 =	vlt.s32 v4, v2  }
0x1fd: {  	v6 =	vcvt.f32.s32 v6;
	v12 =	vsel vm14, $0x1, v1  }
0x1fe: {  	(xrf0) =	vadd.scan.msk.s32 $0xffff, v12  }
0x1ff: {  	s30 =	spop (v2sf);
	v13 =	vadd.s32 $0x1, v6  }
0x200: {  	s31 =	sadd.s32 s29, s30;
	v14 =	vmul.u32 $0x32, v13  }
0x201: {  	v15 =	vmov s31  }
0x202: {  	v9 =	vadd.s32 $0xFFFFFFFF, v15;
	vm15 =	vgt.s32 v14, v3  }
0x203: {  	v16 =	vbroadcast v9, $0x0;
	v6 =	vsel vm15, v6, v13  }
0x204: {  	s0 =	ssub.s32 s0, s30;
	v7 =	vmul.u32 $0x32, v6;
	v17, _, _ =	vpop (xrf0)  }
0x205: {  	v10 =	vld [tilespmem:s21+$0x20];
	s1 =	sadd.s32 $0x60, s0;
	v8 =	vadd.s32 v17, v16  }
0x206: {  	vm4 =	vge.s32 v4, v2;
	v18 =	vsub.s32 s1, v17;
	vm5 =	vgt.s32 v7, v3  }
0x207: {  	v2 =	vadd.s32 v0, v18;
	v19 =	vsel vm5, $0xFFFFFFFF, v1  }
0x208: {  	v4 =	vadd.s32 v19, v6;
	_ =	sdelay $0x1  }
0x209: {  	[tilespmem:v8+s12+$0x0] =	vst.idx.msk vm14, v10  }
0x20a: {  	[tilespmem:v8+s13+$0x0] =	vst.idx.msk vm14, v55  }
0x20b: {  	[tilespmem:v2+s14+$0x0] =	vst.idx.msk vm4, v55  }
0x20c: {  	v2 =	vld.idx.msk [tilespmem:v4+s10+$0x0], $0xffff;
	_ =	sdelay $0x1  }
0x20d: {  	v4 =	vmul.u32 $0xFFFFFFCE, v4;
	_ =	sdelay $0x1  }
0x20e: {  	v4 =	vadd.s32 v3, v4  }
0x20f: {  	vm6 =	vlt.s32 v4, v2  }
0x210: {  	v20 =	vsel vm6, $0x1, v1  }
0x211: {  	(xrf0) =	vadd.scan.msk.s32 $0xffff, v20;
	_ =	sdelay $0x3  }
0x212: {  	(v2sf) =	vpush v17, $0xF;
	_ =	sdelay $0x1  }
0x213: {  	v5, _, _ =	vpop (xrf0)  }
0x214: {  	(v2sf) =	vpush v5, $0xF;
	_ =	sdelay $0xb  }
0x215: {  	s23 =	spop (v2sf)  }
0x216: {  	s22 =	sadd.s32 s31, s23  }
0x217: {  	v21 =	vmov s22  }
0x218: {  	s0 =	ssub.s32 s0, s23;
	v6 =	vadd.s32 $0xFFFFFFFF, v21;
	s24 =	spop (v2sf)  }
0x219: {  	v6 =	vbroadcast v6, $0x0;
	s25 =	ssub.s32 s0, s24  }
0x21a: {  	s22 =	sadd.s32 s22, s24;
	s23 =	sadd.s32 $0x80, s25  }
0x21b: {  	v22 =	vld [tilespmem:s21+$0x30];
	v6 =	vadd.s32 v5, v6;
	s0 =	sadd.s32 $0x70, s0;
	s1 =	sadd.s32 $0xFFFFFFFF, s22;
	s21 =	sadd.s32 $0xFFFFFFFF, s23  }
0x21c: {  	vm7 =	vge.s32 v4, v2;
	v5 =	vsub.s32 s0, v5;
	p0 =	sgt.s32 s1, $0x0;
	p1 =	sgt.s32 s21, $0x0  }
0x21d: {  	v2 =	vadd.s32 v0, v5;
	s1 =	simm.s32 @!p0 $0x0;
	s21 =	simm.s32 @!p1 $0x0  }
0x21e: {  	v23 =	vmov s1;
	v24 =	vmov s21  }
0x21f: {  	v5 =	vbroadcast v24, $0x0  }
0x220: {  	v25 =	vshrl.u32 v0, $0x3;
	[tilespmem:v6+s12+$0x0] =	vst.idx.msk vm6, v22;
	s25 =	sand.u32 $0xFFFFFFF0, s22  }
0x221: {  	v26 =	vmul.u32 $0x8, v25;
	v28 =	vand.u32 $0x7, v0;
	[tilespmem:v6+s13+$0x0] =	vst.idx.msk vm6, v3;
	v27 =	vor.u32 s25, v0;
	s24 =	sand.u32 $0xFFFFFFF0, s23  }
0x222: {  	vm8 =	vge.s32 v27, s22;
	v30 =	vor.u32 s24, v0;
	[tilespmem:v2+s14+$0x0] =	vst.idx.msk vm7, v3;
	v2 =	vor.u32 $0xFFFFFFF8, v28  }
0x223: {  	s26 =	sadd.s32 $0x10, s25;
	v31 =	vor.u32 s24, v26;
	v3 =	vor.u32 s25, v26;
	v6 =	vand.u32 v2, v27;
	v29 =	vld.idx.msk [tilespmem:v23+s12+$0x0], $0xffff  }
0x224: {  	v32 =	vor.u32 s26, v0;
	vm9 =	vge.s32 v30, s23;
	s21 =	simm.s32 $0x5C90;
	v3 =	vor.u32 v28, v3;
	v4 =	vld.idx.msk [tilespmem:v23+s13+$0x0], $0xffff  }
0x225: {  	s29 =	sadd.s32 $0x20, s25;
	v12 =	vor.u32 s26, v26;
	s28 =	sadd.s32 $0x10, s24;
	v10 =	vor.u32 v28, v31;
	vm10 =	vge.s32 v32, s22;
	v5 =	vld.idx.msk [tilespmem:v5+s21+$0x0], $0xffff  }
0x226: {  	v14 =	vor.u32 s29, v0;
	v13 =	vor.u32 s28, v0;
	v11 =	vand.u32 v2, v32  }
0x227: {  	v12 =	vor.u32 v28, v12;
	v33 =	vor.u32 s28, v26;
	vm3 =	vge.s32 v13, s23  }
0x228: {  	s31 =	sadd.s32 $0x30, s25;
	v35 =	vor.u32 s29, v26;
	s30 =	sadd.s32 $0x20, s24;
	vm4 =	vge.s32 v14, s22;
	v34 =	vor.u32 v28, v33;
	[tilespmem:v6+s12+$0x0] =	vst.idx.msk vm8, v29  }
0x229: {  	v38 =	vor.u32 s31, v0;
	v36 =	vor.u32 s30, v0;
	[tilespmem:v3+s13+$0x0] =	vst.idx.msk vm8, v4;
	v3 =	vand.u32 v2, v14  }
0x22a: {  	v37 =	vor.u32 s30, v26;
	v13 =	vor.u32 v28, v35;
	vm11 =	vge.s32 v36, s23;
	[tilespmem:v10+s21+$0x0] =	vst.idx.msk vm9, v5  }
0x22b: {  	v39 =	vor.u32 s31, v26;
	s26 =	sadd.s32 $0x40, s25;
	vm12 =	vge.s32 v38, s22;
	s1 =	sadd.s32 $0x30, s24;
	v10 =	vor.u32 v28, v37;
	[tilespmem:v11+s12+$0x0] =	vst.idx.msk vm10, v29  }
0x22c: {  	v43 =	vor.u32 s26, v0;
	v41 =	vor.u32 s1, v0;
	v40 =	vand.u32 v2, v38;
	[tilespmem:v12+s13+$0x0] =	vst.idx.msk vm10, v4  }
0x22d: {  	v42 =	vor.u32 s1, v26;
	vm13 =	vge.s32 v41, s23;
	v11 =	vor.u32 v28, v39;
	[tilespmem:v34+s21+$0x0] =	vst.idx.msk vm3, v5  }
0x22e: {  	s29 =	sadd.s32 $0x50, s25;
	v44 =	vor.u32 s26, v26;
	s28 =	sadd.s32 $0x40, s24;
	vm14 =	vge.s32 v43, s22;
	[tilespmem:v3+s12+$0x0] =	vst.idx.msk vm4, v29;
	v3 =	vor.u32 v28, v42  }
0x22f: {  	v48 =	vor.u32 s29, v0;
	v46 =	vor.u32 s28, v0;
	v45 =	vand.u32 v2, v43;
	[tilespmem:v13+s13+$0x0] =	vst.idx.msk vm4, v4  }
0x230: {  	v47 =	vor.u32 s28, v26;
	vm15 =	vge.s32 v46, s23;
	v6 =	vor.u32 v28, v44;
	[tilespmem:v10+s21+$0x0] =	vst.idx.msk vm11, v5  }
0x231: {  	s31 =	sadd.s32 $0x60, s25;
	v49 =	vor.u32 s29, v26;
	s30 =	sadd.s32 $0x50, s24;
	vm8 =	vge.s32 v48, s22;
	v10 =	vor.u32 v28, v47;
	[tilespmem:v40+s12+$0x0] =	vst.idx.msk vm12, v29  }
0x232: {  	v52 =	vor.u32 s31, v0;
	v51 =	vor.u32 s30, v0;
	v50 =	vand.u32 v2, v48;
	[tilespmem:v11+s13+$0x0] =	vst.idx.msk vm12, v4  }
0x233: {  	vm9 =	vge.s32 v51, s23;
	v12 =	vor.u32 v28, v49;
	[tilespmem:v3+s21+$0x0] =	vst.idx.msk vm13, v5;
	v3 =	vor.u32 s30, v26  }
0x234: {  	v53 =	vor.u32 s31, v26;
	s26 =	sadd.s32 $0x70, s25;
	s1 =	sadd.s32 $0x60, s24;
	vm10 =	vge.s32 v52, s22;
	[tilespmem:v45+s12+$0x0] =	vst.idx.msk vm14, v29;
	v3 =	vor.u32 v28, v3  }
0x235: {  	v57 =	vor.u32 s26, v0;
	v55 =	vor.u32 s1, v0;
	v54 =	vand.u32 v2, v52;
	[tilespmem:v6+s13+$0x0] =	vst.idx.msk vm14, v4  }
0x236: {  	v56 =	vor.u32 s1, v26;
	v13 =	vor.u32 v28, v53;
	vm11 =	vge.s32 v55, s23;
	[tilespmem:v10+s21+$0x0] =	vst.idx.msk vm15, v5  }
0x237: {  	s29 =	sadd.s32 $0x80, s25;
	v58 =	vor.u32 s26, v26;
	s28 =	sadd.s32 $0x70, s24;
	vm12 =	vge.s32 v57, s22;
	v10 =	vor.u32 v28, v56;
	[tilespmem:v50+s12+$0x0] =	vst.idx.msk vm8, v29  }
0x238: {  	v61 =	vor.u32 s29, v0;
	v60 =	vor.u32 s28, v0;
	v59 =	vand.u32 v2, v57;
	[tilespmem:v12+s13+$0x0] =	vst.idx.msk vm8, v4  }
0x239: {  	v11 =	vor.u32 v28, v58;
	vm13 =	vge.s32 v60, s23;
	[tilespmem:v3+s21+$0x0] =	vst.idx.msk vm9, v5;
	v3 =	vor.u32 s28, v26  }
0x23a: {  	s30 =	sadd.s32 $0x80, s24;
	vm14 =	vge.s32 v61, s22;
	[tilespmem:v54+s12+$0x0] =	vst.idx.msk vm10, v29;
	v3 =	vor.u32 v28, v3  }
0x23b: {  	s31 =	sadd.s32 $0x7F, s23;
	v62 =	vor.u32 s29, v26;
	v2 =	vand.u32 v2, v61;
	v63 =	vor.u32 s30, v0;
	[tilespmem:v13+s13+$0x0] =	vst.idx.msk vm10, v4  }
0x23c: {  	v7 =	vor.u32 s30, v26;
	v6 =	vor.u32 v28, v62;
	vm15 =	vge.s32 v63, s23;
	s23 =	sshra.s32 s31, $0x7;
	[tilespmem:v10+s21+$0x0] =	vst.idx.msk vm11, v5  }
0x23d: {  	v7 =	vor.u32 v28, v7;
	p0 =	slt.s32 s23, $0x1;
	[tilespmem:v59+s12+$0x0] =	vst.idx.msk vm12, v29  }
.Ltmp3:
0x23e: {  	[tilespmem:v11+s13+$0x0] =	vst.idx.msk vm12, v4;
	(pc) =	sbr.rel @p0 .LBB2_6-.Ltmp3, $4  }
0x23f: {  	[tilespmem:v3+s21+$0x0] =	vst.idx.msk vm13, v5  }
0x240: {  	[tilespmem:v2+s12+$0x0] =	vst.idx.msk vm14, v29  }
0x241: {  	[tilespmem:v6+s13+$0x0] =	vst.idx.msk vm14, v4  }
0x242: {  	[tilespmem:v7+s21+$0x0] =	vst.idx.msk vm15, v5  }
0x243: {  	p0 =	sne.s32 s23, $0x1  }
.Ltmp4:
0x244: {  	_ = 	snop;
	(pc) =	sbr.rel @!p0 .LBB2_6-.Ltmp4, $3  }
0x245: {  	_ =	sdelay $0x1  }
0x246: {  	[hbm4b:s3+s15] =	stream.indirect.scatter [tilespmem:s11], [sflag:$0x3], $0x40, s21, s15, $0xb8;
	[tilespmem:$0xD690] =	vst v63  }
0x247: {  	s1 =	sadd.s32 $0xFFFFFFFF, s23  }
.LBB2_5:
0x248: {  	p0 =	sne.s32 s1, $0x1  }
.Ltmp5:
0x249: {  	_ = 	snop;
	(pc) =	sbr.rel @p0 .LBB2_5-.Ltmp5, $3  }
0x24a: {  	_ = 	snop  }
0x24b: {  	s1 =	sadd.s32 $0xFFFFFFFF, s1;
	s21 =	sadd.s32 $0x80, s21;
	_ =	sdelay $0x1  }
0x24c: {  	[hbm4b:s3+s15] =	stream.indirect.scatter [tilespmem:s11], [sflag:$0x3], $0x40, s21, s15, $0xb8;
	[tilespmem:$0xD690] =	vst v63  }
.LBB2_6:
0x24d: {  	s0 =	sadd.s32 $0x7F, s22  }
0x24e: {  	s1 =	sshra.s32 s0, $0x7  }
0x24f: {  	p0 =	slt.s32 s1, $0x1  }
.Ltmp6:
0x250: {  	_ = 	snop;
	(pc) =	sbr.rel @p0 .LBB2_10-.Ltmp6, $1  }
0x251: {  	_ =	sdelay $0x3  }
0x252: {  	[tilespmem:s16], [sflag:$0x1] =	stream.indirect.gather [hbm4b:s5+s15], $0x40, s12, s15, $0xb8;
	[tilespmem:$0xD690] =	vst v63  }
0x253: {  	s22 =	simm.s32 $0x0;
	p0 =	sle.s32 s1, $0x1  }
0x254: {  	_ =	swait.ge [sflag:s17], $0x2000;
	s0 =	sxor.u32 @!p0 $0xFFFFFFFF, s22  }
0x255: {  	s24 =	simm.s32 $0x2980;
	[sflag:s17] =	ssyncset.done $0x0;
	s0 =	sand.u32 @!p0 $0x2000, s0  }
0x256: {  	s26 =	simm.s32 @!p0 $0x80;
	[sflag:s17] =	ssyncadd.s32 $0xFFFFE000;
	s0 =	sadd.s32 @!p0 $0x7690, s0  }
0x257: {  	[tilespmem:s0], [sflag:$0x1] =	stream.indirect.gather @!p0 [hbm4b:s5+s26], $0x40, s24, s26, $0xb8;
	[tilespmem:$0xD690] =	vst v63  }
0x258: {  	p0 =	seq.s32 s1, $0x1  }
.Ltmp7:
0x259: {  	s25 =	sand.u32 $0x2000, s22;
	(pc) =	sbr.rel @p0 .LBB2_9-.Ltmp7, $4  }
0x25a: {  	s21 =	simm.s32 $0x4290;
	s31 =	sadd.s32 $0x7690, s25  }
0x25b: {  	[hbm4b:s3+s15] =	stream.indirect.scatter [tilespmem:s31], [sflag:$0x2], $0x40, s21, s15, $0xb8;
	[tilespmem:$0xD690] =	vst v63  }
0x25c: {  	_ =	swait.ge [sflag:s18], $0x2000  }
0x25d: {  	s25 =	simm.s32 $0x1;
	[sflag:s18] =	ssyncset.done $0x0  }
.LBB2_8:
0x25e: {  	s25 =	sadd.s32 $0x1, s25  }
0x25f: {  	s22 =	sadd.s32 $0x2000, s22;
	p0 =	sge.s32 s25, s1;
	[sflag:s18] =	ssyncadd.s32 $0xFFFFE000  }
0x260: {  	s24 =	sadd.s32 $0x80, s24;
	_ =	swait.ge [sflag:s17], $0x2000;
	s0 =	sxor.u32 @!p0 $0xFFFFFFFF, s22  }
0x261: {  	s26 =	sand.u32 $0x2000, s22;
	[sflag:s17] =	ssyncset.done $0x0;
	s0 =	sand.u32 @!p0 $0x2000, s0  }
0x262: {  	s28 =	simm.s32 @!p0 $0x80;
	[sflag:s17] =	ssyncadd.s32 $0xFFFFE000;
	s0 =	sadd.s32 @!p0 $0x7690, s0  }
0x263: {  	[tilespmem:s0], [sflag:$0x1] =	stream.indirect.gather @!p0 [hbm4b:s5+s28], $0x40, s24, s28, $0xb8;
	[tilespmem:$0xD690] =	vst v63  }
0x264: {  	p0 =	seq.s32 s1, s25  }
.Ltmp8:
0x265: {  	_ = 	snop;
	(pc) =	sbr.rel @!p0 .LBB2_8-.Ltmp8, $4  }
0x266: {  	s21 =	sadd.s32 $0x80, s21;
	s0 =	sadd.s32 $0x7690, s26  }
0x267: {  	[hbm4b:s3+s15] =	stream.indirect.scatter [tilespmem:s0], [sflag:$0x2], $0x40, s21, s15, $0xb8;
	[tilespmem:$0xD690] =	vst v63  }
0x268: {  	_ =	swait.ge [sflag:s18], $0x2000  }
0x269: {  	[sflag:s18] =	ssyncset.done $0x0  }
.LBB2_9:
0x26a: {  	[sflag:s18] =	ssyncadd.s32 $0xFFFFE000  }
.LBB2_10:
0x26b: {  	p0 =	sgt.s32 s23, $0x0  }
.Ltmp9:
0x26c: {  	_ = 	snop;
	(pc) =	sbr.rel @!p0 .LBB2_14-.Ltmp9, $1  }
0x26d: {  	_ =	sdelay $0x3  }
0x26e: {  	p0 =	sne.s32 s23, $0x1  }
.Ltmp10:
0x26f: {  	_ = 	snop;
	(pc) =	sbr.rel @!p0 .LBB2_13-.Ltmp10, $3  }
0x270: {  	_ =	sdelay $0x1  }
0x271: {  	_ =	swait.ge [sflag:s19], $0x2000  }
0x272: {  	s1 =	sadd.s32 $0xFFFFFFFF, s23;
	[sflag:s19] =	ssyncset.done $0x0  }
.LBB2_12:
0x273: {  	p0 =	sne.s32 s1, $0x1;
	s1 =	sadd.s32 $0xFFFFFFFF, s1;
	[sflag:s19] =	ssyncadd.s32 $0xFFFFE000  }
.Ltmp11:
0x274: {  	(pc) =	sbr.rel @p0 .LBB2_12-.Ltmp11, $3  }
0x275: {  	_ =	sdelay $0x1  }
0x276: {  	_ =	swait.ge [sflag:s19], $0x2000  }
0x277: {  	[sflag:s19] =	ssyncset.done $0x0  }
.Ltmp12:
0x278: {  	_ = 	snop;
	(pc) =	sbr.rel .LBB2_13-.Ltmp12, $1  }
0x279: {  	_ =	sdelay $0x3  }
.LBB2_15:
0x27a: {  	_ =	sfence.sel $0x180000  }
0x27b: {  	[bflag:$0x0] =	sbarrier.arrive $0xFFFF  }
0x27c: {  	_ =	strace $0x90000047  }
0x27d: {  	s0 =	stileid.u32;
	[bflag:$0x2] =	sbarrier.arrive $0xFFFF  }
0x27e: {  	p0 =	sne.s32 s0, $0x0;
	s0 =	rddreg [dreg:$0x3]  }
0x27f: {  	s0 =	sadd.s32 @!p0 $0x100000, s0  }
0x280: {  	[sflag:s0] =	ssyncadd.tile.s32 @!p0 $0x1;
	_ =	shalt  }
.Lfunc_end2:
_tile_overlayer_lowered:
.L_overlay_start_2:
0x281: {  	(tag) =	ssettag $0x2  }
0x282: {  	s0 =	rddreg [dreg:$0x0];
	s2 =	stileid.u32  }
0x283: {  	s1 =	rddreg [dreg:$0x1];
	p0 =	sne.s32 s2, $0x0  }
0x284: {  	s3 =	rddreg [dreg:$0x2];
	[bflag:$0x3] =	sbarrier.arrive $0xFFFF;
	s2 =	simm.s32 @!p0 $0x1C04  }
0x285: {  	[timem:s3], [sflag:s2] =	dma.local @!p0 [hbm:s0], s1  }
0x286: {  	s0 =	simm.s32 @!p0 $0x4  }
0x287: {  	_ =	swait.ge @!p0 [sflag:s0], s1  }
0x288: {  	s1 =	ssub.s32 @!p0 $0x0, s1;
	[sflag:s0] =	ssyncset.done @!p0 $0x0  }
0x289: {  	[sflag:s0] =	ssyncadd.s32 @!p0 s1  }
0x28a: {  	[bflag:$0x3] =	sbarrier.arrive $0xFFFF  }
0x28b: {  	_ =	shalt  }

// kernel: sparse-core-data-format-call.cloned.1.call-start
scs
called_computation_lowered:
.L_overlay_start_0:
0x0: {  	s2 =	sld [smem:$0x3FD9]  }
0x1: {  	s3 =	sld [smem:$0x3FFE];
	_ =	sdelay $0x1  }
0x2: {  	s1 =	srdreg.scid  }
0x3: {  	s0 =	sand.u32 $0x1, s1  }
0x4: {  	s18 =	sshll.u32 s0, $0xA;
	s2 =	sadd.s32 s3, s2  }
0x5: {  	s2 =	sadd.s32 s2, s18  }
0x6: {  	[smem:$0x3FC5] =	sst s2  }
0x7: {  	_ = 	snop  }
0x8: {  	s2 =	sld [smem:$0x3FD0];
	(tm) =	ssettm $0x1  }
0x9: {  	s19 =	sld [smem:$0x3FFB];
	_ =	sdelay $0x3  }
0xa: {  	_ =	strace s19  }
0xb: {  	s3 =	sld [smem:$0x3FFC];
	_ =	sdelay $0x3  }
0xc: {  	_ =	strace s3  }
0xd: {  	s3 =	sld [smem:$0x3FFD];
	_ =	sdelay $0x3  }
0xe: {  	_ =	strace s3  }
0xf: {  	_ =	strace $0x8FFFFFFF  }
0x10: {  	s20 =	sld [smem:$0x3FDB];
	_ =	sdelay $0x1  }
0x11: {  	s4 =	simm.s32 $_scs_section_size  }
0x12: {  	s5 =	simm.s32 $_size__tile_overlayer_lowered;
	s6 =	simm.s32 $_tile_overlayer_lowered  }
0x13: {  	s23 =	simm.s32 $0x1BFF;
	s22 =	sshll.u32 s6, $0x1;
	s3 =	sadd.s32 s4, s20  }
0x14: {  	s7 =	simm.s32 $0x0;
	s21 =	sshll.u32 s5, $0x1;
	s5 =	sadd.s32 s22, s3  }
0x15: {  	[timem:s7], [sflag:s23] =	dma.local [hbm:s5], s21  }
0x16: {  	_ =	swait.ge [sflag:s23], s21  }
0x17: {  	s4 =	ssub.s32 $0x0, s21;
	[sflag:s23] =	ssyncset.done $0x0  }
0x18: {  	[sflag:s23] =	ssyncadd.s32 s4;
	_ =	sdelay $0x1  }
0x19: {  	s24 =	simm.s32 $0x1B8B  }
0x1a: {  	_ =	swait.ge [sflag:s24], $0x1  }
0x1b: {  	[sflag:s24] =	ssyncset.done $0x0  }
0x1c: {  	s26 =	simm.s32 $0x1B8E;
	s25 =	sld [smem:$0x3FFE];
	[sflag:s24] =	ssyncadd.s32 $0xFFFFFFFF  }
0x1d: {  	s27 =	simm.s32 $execute0_lowered;
	[smem:$0x3FD2] =	sst s26  }
0x1e: {  	s5 =	sshll.u32 s27, $0x1;
	_ =	strace $0x80000049;
	[dreg:$0x1] =	wrdreg $0xFFFFFFFF  }
0x1f: {  	s28 =	simm.s32 $_size_execute0_lowered;
	s3 =	sadd.s32 s3, s5;
	[dreg:$0x0] =	wrdreg $0x0  }
0x20: {  	s5 =	sshll.u32 s28, $0x1;
	[dreg:$0x2] =	wrdreg s3  }
0x21: {  	[dreg:$0x3] =	wrdreg s5  }
0x22: {  	[dreg:$0x4] =	wrdreg $0xC0  }
0x23: {  	_ =	task [dreg:s7], $0x5FFFF  }
0x24: {  	[dreg:$0x1] =	wrdreg $0xFFFFFFFF  }
0x25: {  	[dreg:$0x0] =	wrdreg $0x60  }
0x26: {  	[dreg:$0x2] =	wrdreg s25  }
0x27: {  	[dreg:$0x3] =	wrdreg s2  }
0x28: {  	[dreg:$0x4] =	wrdreg $0x9  }
0x29: {  	_ =	task.clear_ibuf [dreg:s7], $0x5FFFF;
	_ =	strace $0x90000049  }
0x2a: {  	s29 =	simm.s32 $0x9;
	_ =	strace $0x8000004B  }
0x2b: {  	_ =	swait.ge [sflag:s29], $0x1  }
0x2c: {  	[sflag:s29] =	ssyncadd.s32 $0xFFFFFFFF  }
0x2d: {  	_ =	strace $0x9000004B  }
0x2e: {  	_ =	sfence  }
0x2f: {  	s30 =	sld [smem:$0x0];
	_ =	sdelay $0x2  }
0x30: {  	s31 =	sshll.u32 s1, $0xD;
	s1 =	sshrl.u32 s1, $0x2  }
0x31: {  	s3 =	sand.u32 $0x4000, s31;
	s1 =	sadd.s32 s1, s30  }
0x32: {  	s0 =	sor.u32 s3, s0;
	s1 =	sshll.u32 s1, $0x11  }
0x33: {  	s0 =	sor.u32 s1, s0  }
0x34: {  	s0 =	sadd.s32 $0x8F2B, s0  }
0x35: {  	[sflag:s0] =	ssyncadd.remote.s32 $0x1  }
0x36: {  	_ =	sfence.sel $0xFFFF  }
0x37: {  	[dreg:$0x0] =	wrdreg $0xFFFFFFFF;
	(pc) =	sbr.abs _section_cstart, $3  }
0x38: {  	[dreg:$0x1] =	wrdreg $0xFFFFFFFF  }
0x39: {  	_ =	task.clear_ibuf [dreg:s7], $0x2FFFF;
	_ =	strace $0x9FFFFFFF  }
0x3a: {  	(tm) =	ssettm $0x7FFFFFFF  }
0x3b: {  	_ =	shalt  }
tec
execute0_lowered:
.L_overlay_start_1:
0x0: {  	(tag) =	ssettag $0x1  }
0x1: {  	s0 =	srdreg.scid  }
0x2: {  	s1 =	sshll.u32 s0, $0x4  }
0x3: {  	s0 =	stileid.u32;
	s1 =	sand.u32 $0x10, s1  }
0x4: {  	s1 =	sor.u32 s0, s1  }
0x5: {  	s6 =	rddreg [dreg:$0x0];
	s4 =	simm.s32 $0x1;
	s2 =	sshll.u32 s1, $0x7  }
0x6: {  	s7 =	simm.s32 $0x2;
	s12 =	simm.s32 $0x0;
	s1 =	ssub.s32 $0x1000, s2  }
0x7: {  	s8 =	simm.s32 $0x8000;
	s13 =	simm.s32 $0x0;
	s3 =	sand.u32 $0xF80, s1  }
0x8: {  	s9 =	simm.s32 $0x0;
	s5 =	sshrl.u32 s1, $0xC;
	p0 =	sne.s32 s3, $0x0  }
.Ltmp0:
0x9: {  	s1 =	rddreg [dreg:$0x2];
	s4 =	simm.s32 @!p0 $0x0;
	(pc) =	sbr.rel .LBB1_1-.Ltmp0, $4  }
0xa: {  	s11 =	simm.s32 $0x0;
	s3 =	rddreg [dreg:$0x1];
	s5 =	sadd.s32 s4, s5  }
0xb: {  	_ =	strace $0x8000004A;
	s4 =	simm.s32 $0x1;
	s5 =	smul.u32 $0x32, s5  }
0xc: {  	s6 =	sadd.s32 $0xA00, s6;
	s10 =	smov.u32 s2;
	[sflag:s4] =	ssyncpa.u1 $0x0  }
0xd: {  	p0 =	por $0x0, $0x0;
	[sflag:s7] =	ssyncpa.u1 $0x0;
	s7 =	sor.u32 $0x1, s5  }
.LBB1_4:
0xe: {  	s16 =	sshll.u32 s13, $0x3;
	s17 =	sand.u32 $0x78, s13  }
0xf: {  	s30 =	sand.u32 $0x7E00, s13;
	s12 =	sshll.u32 s12, $0xF;
	s16 =	sand.u32 $0xC00, s16  }
0x10: {  	[tilespmem:s15+$0x810 ss:$0x81] =	vst.msk $0xffff, v2;
	s31 =	sand.u32 $0x7, s13;
	s16 =	sor.u32 s17, s16;
	s17 =	sadd.s32 s3, s30  }
0x11: {  	[tilespmem:s15+$0x1020 ss:$0x81] =	vst.msk $0xffff, v0;
	s13 =	sshll.u32 s31, $0x12;
	s12 =	sadd.s32 s12, s17;
	s16 =	sshrl.u32 s16, $0x3  }
0x12: {  	[tilespmem:s15+$0x0 ss:$0x81] =	vst.msk $0xffff, v1;
	s13 =	sor.u32 $0x400, s13;
	s12 =	sadd.s32 s16, s12  }
0x13: {  	[hbm4b:s12+s13] =	stream.strided.scatter [tilespmem:s14], [sflag:$0x2], $0x2000, s8, s13, $0x20;
	[tilespmem:$0x8080] =	vst v63  }
.LBB1_5:
0x14: {  	s14 =	sadd.s32 $0x1, s9  }
0x15: {  	s12 =	sadd.s32 $0x1000, s10;
	s16 =	smov.u32 s10;
	p2 =	sgt.s32 s14, $0x31  }
0x16: {  	s16 =	smov.u32 @p2 s12  }
0x17: {  	s14 =	simm.s32 @p2 $0x0;
	p2 =	sgt.s32 s16, $0xFFF  }
0x18: {  	s16 =	smov.u32 @p2 s2;
	p2 =	sne.s32 s11, s7  }
.Ltmp1:
0x19: {  	p1 =	slt.u32 s11, $0x2;
	(pc) =	sbr.rel @!p2 .LBB1_6-.Ltmp1, $4  }
0x1a: {  	s15 =	simm.s32 @!p1 $0x2  }
0x1b: {  	s13 =	smov.u32 s10;
	p0 =	por !p0, !p0;
	_ =	swait.ge @!p1 [sflag:s15], $0x2000  }
0x1c: {  	s12 =	smov.u32 s9;
	[sflag:s15] =	ssyncset.done @!p1 $0x0;
	s9 =	smov.u32 s14  }
0x1d: {  	s11 =	sadd.s32 $0x1, s11;
	[sflag:s15] =	ssyncadd.s32 @!p1 $0xFFFFE000;
	s10 =	smov.u32 s16  }
.LBB1_1:
0x1e: {  	p1 =	sge.u32 s11, s5  }
0x1f: {  	s14 =	sand.u32 @!p1 $0x1FFFFFF, s9  }
0x20: {  	s15 =	smulhi.u32 @!p1 $0x4924925, s14;
	_ =	sdelay $0x1  }
0x21: {  	s15 =	smul.u32 @!p1 $0x38, s15  }
0x22: {  	s16 =	sxor.u32 @!p1 $0xFFFFFFFF, s11;
	s17 =	smul.u32 @!p1 $0x380, s10  }
0x23: {  	s31 =	sadd.s32 $0xFFFFFFFF, s11;
	s16 =	sshll.u32 @!p1 s16, $0xD;
	s14 =	ssub.s32 @!p1 s14, s15  }
0x24: {  	s15 =	sand.u32 @!p1 $0x2000, s16;
	s16 =	sadd.s32 @!p1 s6, s17;
	s14 =	sshll.u32 @!p1 s14, $0x4  }
0x25: {  	s17 =	simm.s32 @!p1 $0x1C00;
	s14 =	sadd.s32 @!p1 s14, s16;
	s16 =	simm.s32 @!p1 $0x40  }
0x26: {  	[tilespmem:s15], [sflag:$0x1] =	stream.strided.gather @!p1 [hbm4b:s14+s16], $0x2000, s17, s16, $0x38;
	[tilespmem:$0x8080] =	vst v63  }
0x27: {  	p1 =	sge.u32 s31, s5  }
.Ltmp2:
0x28: {  	_ = 	snop;
	(pc) =	sbr.rel @p1 .LBB1_5-.Ltmp2, $1  }
0x29: {  	_ =	sdelay $0x3  }
0x2a: {  	s14 =	simm.s32 $0x1  }
0x2b: {  	_ =	swait.ge [sflag:s4], $0x2000;
	s14 =	simm.s32 @!p0 $0x0  }
0x2c: {  	[sflag:s4] =	ssyncset.done $0x0;
	s15 =	sshll.u32 s14, $0xD  }
0x2d: {  	[sflag:s4] =	ssyncadd.s32 $0xFFFFE000;
	s18 =	sor.u32 $0x20, s15  }
0x2e: {  	s14 =	smul.u32 $0x8100, s14;
	v3 =	vld [tilespmem:s18+$0x10]  }
0x2f: {  	s30 =	sand.u32 $0x1, s11;
	v2 =	vld [tilespmem:s18+$0xFFFFFFF0]  }
0x30: {  	s15 =	smul.u32 $0x8100, s30;
	s14 =	sshrl.u32 s14, $0x2;
	v0 =	vld [tilespmem:s18+$0x0]  }
0x31: {  	v1 =	vld [tilespmem:s18+$0xFFFFFFE0];
	s16 =	sor.u32 $0x4000, s14  }
0x32: {  	s31 =	sshrl.u32 s15, $0x2;
	s15 =	sadd.s32 $0x0, s16  }
0x33: {  	s17 =	simm.s32 $0x4;
	s18 =	sadd.s32 $0x40, s18;
	s14 =	sor.u32 $0x4000, s31;
	[tilespmem:s15+$0x1830 ss:$0x81] =	vst.msk $0xffff, v3  }
.LBB1_3:
0x34: {  	v3 =	vld [tilespmem:s18+$0x10];
	p1 =	sne.s32 s17, $0x1FC;
	[tilespmem:s15+$0x810 ss:$0x81] =	vst.msk $0xffff, v2;
	s19 =	smov.u32 s17;
	s17 =	sadd.s32 $0x4, s17  }
.Ltmp3:
0x35: {  	v2 =	vld [tilespmem:s18+$0xFFFFFFF0];
	[tilespmem:s15+$0x1020 ss:$0x81] =	vst.msk $0xffff, v0;
	(pc) =	sbr.rel @p1 .LBB1_3-.Ltmp3, $4  }
0x36: {  	v0 =	vld [tilespmem:s18+$0x0];
	[tilespmem:s15+$0x0 ss:$0x81] =	vst.msk $0xffff, v1  }
0x37: {  	s15 =	sshra.s32 s19, $0x2;
	v1 =	vld [tilespmem:s18+$0xFFFFFFE0]  }
0x38: {  	s15 =	sadd.s32 s15, s16  }
0x39: {  	s18 =	sadd.s32 $0x40, s18;
	[tilespmem:s15+$0x1830 ss:$0x81] =	vst.msk $0xffff, v3  }
.Ltmp4:
0x3a: {  	_ = 	snop;
	(pc) =	sbr.rel .LBB1_4-.Ltmp4, $1  }
0x3b: {  	_ =	sdelay $0x3  }
.LBB1_6:
0x3c: {  	_ =	sfence.sel $0x180000  }
0x3d: {  	s2 =	simm.s32 $0x1;
	[bflag:$0x0] =	sbarrier.arrive $0xFFFF  }
0x3e: {  	s31 =	simm.s32 $0x2;
	[sflag:s2] =	ssyncpa.u1 $0x1  }
0x3f: {  	[sflag:s31] =	ssyncpa.u1 $0x1  }
0x40: {  	p0 =	sne.s32 s0, $0x0;
	_ =	strace $0x9000004A  }
0x41: {  	s0 =	sadd.s32 @!p0 $0x100000, s1;
	[bflag:$0x2] =	sbarrier.arrive $0xFFFF  }
0x42: {  	[sflag:s0] =	ssyncadd.tile.s32 @!p0 $0x1;
	_ =	shalt  }
.Lfunc_end1:
_tile_overlayer_lowered:
.L_overlay_start_2:
0x43: {  	(tag) =	ssettag $0x2  }
0x44: {  	s0 =	rddreg [dreg:$0x0];
	s2 =	stileid.u32  }
0x45: {  	s1 =	rddreg [dreg:$0x1];
	p0 =	sne.s32 s2, $0x0  }
0x46: {  	s3 =	rddreg [dreg:$0x2];
	[bflag:$0x3] =	sbarrier.arrive $0xFFFF;
	s2 =	simm.s32 @!p0 $0x1C01  }
0x47: {  	[timem:s3], [sflag:s2] =	dma.local @!p0 [hbm:s0], s1  }
0x48: {  	s0 =	simm.s32 @!p0 $0x1  }
0x49: {  	_ =	swait.ge @!p0 [sflag:s0], s1  }
0x4a: {  	s1 =	ssub.s32 @!p0 $0x0, s1;
	[sflag:s0] =	ssyncset.done @!p0 $0x0  }
0x4b: {  	[sflag:s0] =	ssyncadd.s32 @!p0 s1  }
0x4c: {  	[bflag:$0x3] =	sbarrier.arrive $0xFFFF  }
0x4d: {  	_ =	shalt  }

</sc_bundles>
